<compile_context>
chip_gen: v7x
topology: tpu7x:2x2x1
jax: 0.10.2.dev20260603
libtpu: 0.0.44.dev20260713+nightly
codegen_flags: <defaults>
</compile_context>

<pallas_src>
import functools

import jax
import jax.numpy as jnp
from jax import lax
from jax.experimental import pallas as pl
from jax.experimental.pallas import tpu as pltpu
from jax.experimental.pallas import tpu_sc as plsc

N = 100000
F = 128
B = 512
TILES = 16
CHUNK = 128
NCH = 49
PER_TILE = NCH * CHUNK
LAST_ROWS = N - 15 * PER_TILE
LAST_FULL = LAST_ROWS // CHUNK
LAST_REM = LAST_ROWS - LAST_FULL * CHUNK
ACC_ROWS = 528
ZROWS = B // TILES


def _prep_ids(batch):
    ids = batch.astype(jnp.int32)
    pad = jnp.full((TILES * PER_TILE - N,), B, jnp.int32)
    return jnp.concatenate([ids, pad]).reshape(TILES, NCH, CHUNK)


def _sc_segment_sums(x_s, ids_s, x_t, ids_t, zeros_f, ones_1):
    mesh = plsc.VectorSubcoreMesh(core_axis_name="c", subcore_axis_name="s")

    @functools.partial(
        pl.kernel,
        out_type=(
            jax.ShapeDtypeStruct((B, F), jnp.float32),
            jax.ShapeDtypeStruct((B,), jnp.float32),
            jax.ShapeDtypeStruct((B, F), jnp.float32),
            jax.ShapeDtypeStruct((B,), jnp.float32),
        ),
        mesh=mesh,
        scratch_types=[
            pltpu.VMEM((NCH, CHUNK), jnp.int32),
            pltpu.VMEM((4, CHUNK, F), jnp.float32),
            pltpu.VMEM((CHUNK,), jnp.float32),
            pltpu.VMEM((ZROWS,), jnp.float32),
            pltpu.VMEM_SHARED((ACC_ROWS, F), jnp.float32),
            pltpu.VMEM_SHARED((ACC_ROWS,), jnp.float32),
            pltpu.SemaphoreType.DMA((4,)),
            pltpu.SemaphoreType.DMA((4,)),
            pltpu.SemaphoreType.DMA,
        ],
    )
    def k(x_s_hbm, ids_s_hbm, x_t_hbm, ids_t_hbm, zf_hbm, ones_hbm,
          sum_s_hbm, cnt_s_hbm, sum_t_hbm, cnt_t_hbm,
          idx_v, data_v, ones_v, c32_v, acc_sh, cnt_sh,
          ld_sems, sc_sems, cnt_sem):
        c = lax.axis_index("c")
        s = lax.axis_index("s")
        pltpu.sync_copy(zf_hbm, acc_sh.at[pl.ds(s * ZROWS, ZROWS)])
        c32_v[pl.ds(0, 16)] = jnp.zeros((16,), jnp.float32)
        c32_v[pl.ds(16, 16)] = jnp.zeros((16,), jnp.float32)
        pltpu.sync_copy(c32_v, cnt_sh.at[pl.ds(s * ZROWS, ZROWS)])
        pltpu.sync_copy(ones_hbm, ones_v)
        plsc.subcore_barrier()

        def side(x_hbm, ids_hbm, sum_hbm, cnt_hbm):
            pltpu.sync_copy(ids_hbm.at[s], idx_v)
            base = s * PER_TILE

            def ld(ci, b):
                return pltpu.make_async_copy(
                    x_hbm.at[pl.ds(base + ci * CHUNK, CHUNK)],
                    data_v.at[b], ld_sems.at[b])

            class _Cp:
                def __init__(self, src, dst, sem):
                    self.args = (src, dst, sem)

                def start(self):
                    pltpu.async_copy(*self.args, add=True)

                def wait(self):
                    pltpu.make_async_copy(*self.args).wait()

            def sc_data(ci, b):
                return _Cp(data_v.at[b], acc_sh.at[idx_v.at[ci]],
                           sc_sems.at[b])

            def sc_cnt(ci):
                return _Cp(ones_v, cnt_sh.at[idx_v.at[ci]], cnt_sem)

            ld(0, 0).start()
            ld(1, 1).start()

            def mk_body(nfull):
                def body(ci, carry):
                    b = ci & 3
                    ld(ci, b).wait()
                    sc_data(ci, b).start()
                    sc_cnt(ci).start()
                    nxt = ci + 2
                    b2 = nxt & 3

                    @pl.when(jnp.logical_and(nxt < nfull, ci >= 2))
                    def _():
                        sc_data(ci - 2, b2).wait()
                        sc_cnt(ci - 2).wait()
                        ld(nxt, b2).start()

                    @pl.when(jnp.logical_and(nxt < nfull, ci < 2))
                    def _():
                        ld(nxt, b2).start()

                    return carry
                return body

            def drain(nfull):
                def dbody(j, carry):
                    sc_data(j, j & 3).wait()
                    sc_cnt(j).wait()
                    return carry
                lax.fori_loop(nfull - 4, nfull, dbody, 0)

            @pl.when(s < TILES - 1)
            def _():
                lax.fori_loop(0, NCH, mk_body(NCH), 0)
                drain(NCH)

            @pl.when(s == TILES - 1)
            def _():
                lax.fori_loop(0, LAST_FULL, mk_body(LAST_FULL), 0)
                drain(LAST_FULL)
                pltpu.sync_copy(
                    x_hbm.at[pl.ds(base + LAST_FULL * CHUNK, LAST_REM)],
                    data_v.at[0, pl.ds(0, LAST_REM)])
                pltpu.sync_copy(data_v.at[0], acc_sh.at[idx_v.at[LAST_FULL]],
                                add=True)
                pltpu.sync_copy(ones_v, cnt_sh.at[idx_v.at[LAST_FULL]],
                                add=True)

            plsc.subcore_barrier()
            pltpu.sync_copy(acc_sh.at[pl.ds(s * ZROWS, ZROWS)],
                            sum_hbm.at[pl.ds(s * ZROWS, ZROWS)])
            pltpu.sync_copy(cnt_sh.at[pl.ds(s * ZROWS, ZROWS)], c32_v)
            pltpu.sync_copy(c32_v, cnt_hbm.at[pl.ds(s * ZROWS, ZROWS)])

        @pl.when(c == 0)
        def _():
            side(x_s_hbm, ids_s_hbm, sum_s_hbm, cnt_s_hbm)

        @pl.when(c == 1)
        def _():
            side(x_t_hbm, ids_t_hbm, sum_t_hbm, cnt_t_hbm)

    return k(x_s, ids_s, x_t, ids_t, zeros_f, ones_1)


def _tc_mlp(sum_s, cnt_s, sum_t, cnt_t, u, w1t, b1, w2t, b2):
    def body(sum_s_ref, cnt_s_ref, sum_t_ref, cnt_t_ref, u_ref,
             w1_ref, b1_ref, w2_ref, b2_ref, out_ref):
        cs = jnp.maximum(cnt_s_ref[...], 1.0)
        ct = jnp.maximum(cnt_t_ref[...], 1.0)
        ms = sum_s_ref[...] / cs
        mt = sum_t_ref[...] / ct
        h = (jnp.dot(u_ref[...], w1_ref[0:F],
                     preferred_element_type=jnp.float32)
             + jnp.dot(ms, w1_ref[F:2 * F],
                       preferred_element_type=jnp.float32)
             + jnp.dot(mt, w1_ref[2 * F:3 * F],
                       preferred_element_type=jnp.float32)
             + b1_ref[...])
        h = jnp.where(h >= 0, h, 0.1 * h)
        out_ref[...] = (jnp.dot(h, w2_ref[...],
                                preferred_element_type=jnp.float32)
                        + b2_ref[...])

    return pl.pallas_call(
        body,
        out_shape=jax.ShapeDtypeStruct((B, F), jnp.float32),
    )(sum_s, cnt_s, sum_t, cnt_t, u, w1t, b1, w2t, b2)


def kernel(x_s, x_t, edge_index, edge_attr, u, batch_s, batch_t, W1, b1, W2, b2):
    del edge_index, edge_attr
    ids_s = _prep_ids(batch_s)
    ids_t = _prep_ids(batch_t)
    zeros_f = jnp.zeros((ZROWS, F), jnp.float32)
    ones_1 = jnp.ones((CHUNK,), jnp.float32)
    sum_s, cnt_s, sum_t, cnt_t = _sc_segment_sums(
        x_s, ids_s, x_t, ids_t, zeros_f, ones_1)
    return _tc_mlp(sum_s, cnt_s.reshape(B, 1), sum_t, cnt_t.reshape(B, 1), u,
                   W1.T, b1.reshape(1, F), W2.T, b2.reshape(1, F))

# --- scband reference (transcript-rebuilt; emitter-appended) ---
"""Pipeline reference for scband-global-model-24756191494621 (READ-ONLY COPY).

The authoritative reference and input builder live on the scoring server;
editing this copy changes nothing except your own understanding.
"""

import jax, jax.numpy as jnp
import numpy as np

N_S = 100000
N_T = 100000
E = 1600000
F_XS = 128
F_XT = 128
F_E = 16
F_U = 128
B = 512


def setup_inputs(seed: int = 0) -> dict:
    key = jax.random.key(seed)
    ks = jax.random.split(key, 12)
    x_s = jax.random.normal(ks[0], (N_S, F_XS), dtype=jnp.float32)
    x_t = jax.random.normal(ks[1], (N_T, F_XT), dtype=jnp.float32)
    edge_index = jax.random.randint(ks[2], (2, E), 0, N_S, dtype=jnp.int64)
    edge_attr = jax.random.normal(ks[3], (E, F_E), dtype=jnp.float32)
    u = jax.random.normal(ks[4], (B, F_U), dtype=jnp.float32)
    batch_s = jnp.sort(jax.random.randint(ks[5], (N_S,), 0, B, dtype=jnp.int64))
    batch_t = jnp.sort(jax.random.randint(ks[6], (N_T,), 0, B, dtype=jnp.int64))
    d_in = F_U + F_XS + F_XT
    W1 = jax.random.normal(ks[7], (F_U, d_in), dtype=jnp.float32) / np.sqrt(d_in)
    b1 = jnp.zeros((F_U,), dtype=jnp.float32)
    W2 = jax.random.normal(ks[8], (F_U, F_U), dtype=jnp.float32) / np.sqrt(F_U)
    b2 = jnp.zeros((F_U,), dtype=jnp.float32)
    return {"x_s": x_s, "x_t": x_t, "edge_index": edge_index, "edge_attr": edge_attr,
            "u": u, "batch_s": batch_s, "batch_t": batch_t,
            "W1": W1, "b1": b1, "W2": W2, "b2": b2}


def _scatter_mean(x, seg, num_segments):
    s = jax.ops.segment_sum(x, seg, num_segments=num_segments)
    c = jax.ops.segment_sum(jnp.ones((x.shape[0],), dtype=x.dtype), seg, num_segments=num_segments)
    return s / jnp.clip(c, 1.0, None)[:, None]


def reference(x_s, x_t, edge_index, edge_attr, u, batch_s, batch_t, W1, b1, W2, b2):
    Bn = u.shape[0]
    s_mean = _scatter_mean(x_s, batch_s, Bn)
    t_mean = _scatter_mean(x_t, batch_t, Bn)
    h = jnp.concatenate([u, s_mean, t_mean], axis=1)
    h = h @ W1.T + b1
    h = jnp.where(h >= 0, h, 0.1 * h)
    out = h @ W2.T + b2
    return out

if __name__ == "__main__":
    import jax
    _d = setup_inputs()
    print(jax.jit(kernel)(*tuple(_d.values())))

</pallas_src>

<mosaic_0001>
#map = affine_map<(d0, d1) -> (0, 0)>
#map1 = affine_map<(d0, d1) -> (0, 0, 0)>
#map2 = affine_map<(d0, d1) -> (0)>
module attributes {stable_mosaic.version = 14 : i64} {
  func.func @k(%arg0: i32, %arg1: i32, %arg2: memref<100000x128xf32, #tpu.memory_space<hbm>>, %arg3: memref<16x49x128xi32, #tpu.memory_space<hbm>>, %arg4: memref<100000x128xf32, #tpu.memory_space<hbm>>, %arg5: memref<16x49x128xi32, #tpu.memory_space<hbm>>, %arg6: memref<32x128xf32, #tpu.memory_space<hbm>>, %arg7: memref<128xf32, #tpu.memory_space<hbm>>, %arg8: memref<512x128xf32, #tpu.memory_space<hbm>>, %arg9: memref<512xf32, #tpu.memory_space<hbm>>, %arg10: memref<512x128xf32, #tpu.memory_space<hbm>>, %arg11: memref<512xf32, #tpu.memory_space<hbm>>, %arg12: memref<49x128xi32, #tpu.memory_space<vmem>>, %arg13: memref<4x128x128xf32, #tpu.memory_space<vmem>>, %arg14: memref<128xf32, #tpu.memory_space<vmem>>, %arg15: memref<32xf32, #tpu.memory_space<vmem>>, %arg16: memref<528x128xf32, #tpu.memory_space<vmem_shared>>, %arg17: memref<528xf32, #tpu.memory_space<vmem_shared>>, %arg18: memref<4x!tpu.dma_semaphore, #tpu.memory_space<semaphore_mem>>, %arg19: memref<4x!tpu.dma_semaphore, #tpu.memory_space<semaphore_mem>>, %arg20: memref<!tpu.dma_semaphore, #tpu.memory_space<semaphore_mem>>) attributes {dimension_semantics = [#tpu.dimension_semantics<core_parallel>, #tpu.dimension_semantics<subcore_parallel>], iteration_bounds = array<i64: 2, 16>, scalar_prefetch = 0 : i64, scratch_operands = 9 : i64, tpu.core_type = #tpu.core_type<sc_vector_subcore>, window_params = [{transform_indices = #map}, {transform_indices = #map1}, {transform_indices = #map}, {transform_indices = #map1}, {transform_indices = #map}, {transform_indices = #map2}, {transform_indices = #map}, {transform_indices = #map2}, {transform_indices = #map}, {transform_indices = #map2}]} {
    %mul3A = arith.constant 32 : i32
    %mul3A_0 = arith.muli %arg1, %mul3A : i32
    "tpu.region"() ({
      %run_scoped3A = tpu.sem_alloc : memref<!tpu.dma_semaphore, #tpu.memory_space<semaphore_mem>>
      %dma_start3A = arith.constant 0 : i32
      %dma_start3A_20 = tpu.memref_slice %arg16[%mul3A_0, %dma_start3A] : memref<528x128xf32, #tpu.memory_space<vmem_shared>> -> memref<32x128xf32, #tpu.memory_space<vmem_shared>>
      tpu.enqueue_dma source(%arg6 : memref<32x128xf32, #tpu.memory_space<hbm>>) target(%dma_start3A_20 : memref<32x128xf32, #tpu.memory_space<vmem_shared>>) target_semaphore(%run_scoped3A : memref<!tpu.dma_semaphore, #tpu.memory_space<semaphore_mem>>)
      %dma_wait3A = arith.constant 0 : i32
      %dma_wait3A_21 = tpu.memref_slice %arg16[%mul3A_0, %dma_wait3A] : memref<528x128xf32, #tpu.memory_space<vmem_shared>> -> memref<32x128xf32, #tpu.memory_space<vmem_shared>>
      tpu.wait_dma2 semaphore(%run_scoped3A : memref<!tpu.dma_semaphore, #tpu.memory_space<semaphore_mem>>) src(%arg6 : memref<32x128xf32, #tpu.memory_space<hbm>>) dst(%dma_wait3A_21 : memref<32x128xf32, #tpu.memory_space<vmem_shared>>)
      tpu.yield
    }) : () -> ()
    %broadcast_in_dim3A = arith.constant 0.000000e+00 : f32
    %broadcast_in_dim3A_1 = vector.broadcast %broadcast_in_dim3A : f32 to vector<16xf32>
    %swap3A = arith.constant 0 : index
    %swap3A_2 = tpu.vector_load %arg15[%swap3A] {strides = array<i32>} : memref<32xf32, #tpu.memory_space<vmem>>, vector<16xf32>,
    %swap3A_3 = vector.shape_cast %swap3A_2 : vector<16xf32> to vector<16xf32>
    %swap3A_4 = vector.shape_cast %broadcast_in_dim3A_1 : vector<16xf32> to vector<16xf32>
    tpu.vector_store %arg15[%swap3A], %swap3A_4 {strides = array<i32>} : memref<32xf32, #tpu.memory_space<vmem>>, vector<16xf32>,
    %broadcast_in_dim3A_5 = arith.constant 0.000000e+00 : f32
    %broadcast_in_dim3A_6 = vector.broadcast %broadcast_in_dim3A_5 : f32 to vector<16xf32>
    %swap3A_7 = arith.constant 16 : index
    %swap3A_8 = tpu.vector_load %arg15[%swap3A_7] {strides = array<i32>} : memref<32xf32, #tpu.memory_space<vmem>>, vector<16xf32>,
    %swap3A_9 = vector.shape_cast %swap3A_8 : vector<16xf32> to vector<16xf32>
    %swap3A_10 = vector.shape_cast %broadcast_in_dim3A_6 : vector<16xf32> to vector<16xf32>
    tpu.vector_store %arg15[%swap3A_7], %swap3A_10 {strides = array<i32>} : memref<32xf32, #tpu.memory_space<vmem>>, vector<16xf32>,
    %mul3A_11 = arith.constant 32 : i32
    %mul3A_12 = arith.muli %arg1, %mul3A_11 : i32
    "tpu.region"() ({
      %run_scoped3A = tpu.sem_alloc : memref<!tpu.dma_semaphore, #tpu.memory_space<semaphore_mem>>
      %dma_start3A = tpu.memref_slice %arg17[%mul3A_12] : memref<528xf32, #tpu.memory_space<vmem_shared>> -> memref<32xf32, #tpu.memory_space<vmem_shared>>
      %dma_start3A_20 = tpu.memref_slice %arg17[%mul3A_12] : memref<528xf32, #tpu.memory_space<vmem_shared>> -> memref<32xf32, #tpu.memory_space<vmem_shared>>
      tpu.enqueue_dma source(%arg15 : memref<32xf32, #tpu.memory_space<vmem>>) target(%dma_start3A_20 : memref<32xf32, #tpu.memory_space<vmem_shared>>) target_semaphore(%run_scoped3A : memref<!tpu.dma_semaphore, #tpu.memory_space<semaphore_mem>>)
      %dma_wait3A = tpu.memref_slice %arg17[%mul3A_12] : memref<528xf32, #tpu.memory_space<vmem_shared>> -> memref<32xf32, #tpu.memory_space<vmem_shared>>
      %dma_wait3A_21 = tpu.memref_slice %arg17[%mul3A_12] : memref<528xf32, #tpu.memory_space<vmem_shared>> -> memref<32xf32, #tpu.memory_space<vmem_shared>>
      tpu.wait_dma2 semaphore(%run_scoped3A : memref<!tpu.dma_semaphore, #tpu.memory_space<semaphore_mem>>) src(%arg15 : memref<32xf32, #tpu.memory_space<vmem>>) dst(%dma_wait3A_21 : memref<32xf32, #tpu.memory_space<vmem_shared>>)
      tpu.yield
    }) : () -> ()
    "tpu.region"() ({
      %run_scoped3A = tpu.sem_alloc : memref<!tpu.dma_semaphore, #tpu.memory_space<semaphore_mem>>
      tpu.enqueue_dma source(%arg7 : memref<128xf32, #tpu.memory_space<hbm>>) target(%arg14 : memref<128xf32, #tpu.memory_space<vmem>>) target_semaphore(%run_scoped3A : memref<!tpu.dma_semaphore, #tpu.memory_space<semaphore_mem>>)
      tpu.wait_dma2 semaphore(%run_scoped3A : memref<!tpu.dma_semaphore, #tpu.memory_space<semaphore_mem>>) src(%arg7 : memref<128xf32, #tpu.memory_space<hbm>>) dst(%arg14 : memref<128xf32, #tpu.memory_space<vmem>>)
      tpu.yield
    }) : () -> ()
    %barrier3A = arith.constant 0 : index
    tpu.barrier barrier_id(%barrier3A)
    %eq3A = arith.constant 0 : i32
    %eq3A_13 = arith.cmpi eq, %arg0, %eq3A : i32
    %convert_element_type3A = arith.extui %eq3A_13 : i1 to i32
    %cond3A = arith.constant 0 : i32
    %cond3A_14 = arith.cmpi ne, %convert_element_type3A, %cond3A : i32
    scf.if %cond3A_14 {
      "tpu.region"() ({
        %run_scoped3A = tpu.sem_alloc : memref<!tpu.dma_semaphore, #tpu.memory_space<semaphore_mem>>
        %dma_start3A_74 = arith.constant 0 : i32
        %dma_start3A_75 = arith.constant 0 : i32
        %dma_start3A_76 = tpu.memref_slice %arg3[%arg1, %dma_start3A_74, %dma_start3A_75] : memref<16x49x128xi32, #tpu.memory_space<hbm>> -> memref<1x49x128xi32, #tpu.memory_space<hbm>>
        %dma_start3A_77 = tpu.memref_squeeze %dma_start3A_76 : memref<1x49x128xi32, #tpu.memory_space<hbm>> -> memref<49x128xi32, #tpu.memory_space<hbm>>
        %dma_start3A_78 = arith.constant 0 : i32
        %dma_start3A_79 = arith.constant 0 : i32
        %dma_start3A_80 = tpu.memref_slice %arg3[%arg1, %dma_start3A_78, %dma_start3A_79] : memref<16x49x128xi32, #tpu.memory_space<hbm>> -> memref<1x49x128xi32, #tpu.memory_space<hbm>>
        %dma_start3A_81 = tpu.memref_squeeze %dma_start3A_80 : memref<1x49x128xi32, #tpu.memory_space<hbm>> -> memref<49x128xi32, #tpu.memory_space<hbm>>
        tpu.enqueue_dma source(%dma_start3A_81 : memref<49x128xi32, #tpu.memory_space<hbm>>) target(%arg12 : memref<49x128xi32, #tpu.memory_space<vmem>>) target_semaphore(%run_scoped3A : memref<!tpu.dma_semaphore, #tpu.memory_space<semaphore_mem>>)
        %dma_wait3A = arith.constant 0 : i32
        %dma_wait3A_82 = arith.constant 0 : i32
        %dma_wait3A_83 = tpu.memref_slice %arg3[%arg1, %dma_wait3A, %dma_wait3A_82] : memref<16x49x128xi32, #tpu.memory_space<hbm>> -> memref<1x49x128xi32, #tpu.memory_space<hbm>>
        %dma_wait3A_84 = tpu.memref_squeeze %dma_wait3A_83 : memref<1x49x128xi32, #tpu.memory_space<hbm>> -> memref<49x128xi32, #tpu.memory_space<hbm>>
        %dma_wait3A_85 = arith.constant 0 : i32
        %dma_wait3A_86 = arith.constant 0 : i32
        %dma_wait3A_87 = tpu.memref_slice %arg3[%arg1, %dma_wait3A_85, %dma_wait3A_86] : memref<16x49x128xi32, #tpu.memory_space<hbm>> -> memref<1x49x128xi32, #tpu.memory_space<hbm>>
        %dma_wait3A_88 = tpu.memref_squeeze %dma_wait3A_87 : memref<1x49x128xi32, #tpu.memory_space<hbm>> -> memref<49x128xi32, #tpu.memory_space<hbm>>
        tpu.wait_dma2 semaphore(%run_scoped3A : memref<!tpu.dma_semaphore, #tpu.memory_space<semaphore_mem>>) src(%dma_wait3A_88 : memref<49x128xi32, #tpu.memory_space<hbm>>) dst(%arg12 : memref<49x128xi32, #tpu.memory_space<vmem>>)
        tpu.yield
      }) : () -> ()
      %mul3A_20 = arith.constant 6272 : i32
      %mul3A_21 = arith.muli %arg1, %mul3A_20 : i32
      %add3A = arith.constant 0 : i32
      %add3A_22 = arith.addi %mul3A_21, %add3A : i32
      %dma_start3A = arith.constant 0 : i32
      %dma_start3A_23 = arith.constant 0 : i32
      %dma_start3A_24 = arith.constant 0 : i32
      %dma_start3A_25 = arith.constant 0 : i32
      %dma_start3A_26 = tpu.memref_slice %arg13[%dma_start3A, %dma_start3A_24, %dma_start3A_25] : memref<4x128x128xf32, #tpu.memory_space<vmem>> -> memref<1x128x128xf32, #tpu.memory_space<vmem>>
      %dma_start3A_27 = tpu.memref_squeeze %dma_start3A_26 : memref<1x128x128xf32, #tpu.memory_space<vmem>> -> memref<128x128xf32, #tpu.memory_space<vmem>>
      %dma_start3A_28 = arith.constant 0 : i32
      %dma_start3A_29 = tpu.memref_slice %arg2[%add3A_22, %dma_start3A_28] : memref<100000x128xf32, #tpu.memory_space<hbm>> -> memref<128x128xf32, #tpu.memory_space<hbm>>
      %dma_start3A_30 = tpu.memref_slice %arg18[%dma_start3A_23] : memref<4x!tpu.dma_semaphore, #tpu.memory_space<semaphore_mem>> -> memref<1x!tpu.dma_semaphore, #tpu.memory_space<semaphore_mem>>
      %dma_start3A_31 = tpu.memref_squeeze %dma_start3A_30 : memref<1x!tpu.dma_semaphore, #tpu.memory_space<semaphore_mem>> -> memref<!tpu.dma_semaphore, #tpu.memory_space<semaphore_mem>>
      %dma_start3A_32 = arith.constant 0 : i32
      %dma_start3A_33 = arith.constant 0 : i32
      %dma_start3A_34 = tpu.memref_slice %arg13[%dma_start3A, %dma_start3A_32, %dma_start3A_33] : memref<4x128x128xf32, #tpu.memory_space<vmem>> -> memref<1x128x128xf32, #tpu.memory_space<vmem>>
      %dma_start3A_35 = tpu.memref_squeeze %dma_start3A_34 : memref<1x128x128xf32, #tpu.memory_space<vmem>> -> memref<128x128xf32, #tpu.memory_space<vmem>>
      %dma_start3A_36 = arith.constant 0 : i32
      %dma_start3A_37 = tpu.memref_slice %arg2[%add3A_22, %dma_start3A_36] : memref<100000x128xf32, #tpu.memory_space<hbm>> -> memref<128x128xf32, #tpu.memory_space<hbm>>
      tpu.enqueue_dma source(%dma_start3A_37 : memref<128x128xf32, #tpu.memory_space<hbm>>) target(%dma_start3A_35 : memref<128x128xf32, #tpu.memory_space<vmem>>) target_semaphore(%dma_start3A_31 : memref<!tpu.dma_semaphore, #tpu.memory_space<semaphore_mem>>)
      %add3A_38 = arith.constant 128 : i32
      %add3A_39 = arith.addi %mul3A_21, %add3A_38 : i32
      %dma_start3A_40 = arith.constant 1 : i32
      %dma_start3A_41 = arith.constant 1 : i32
      %dma_start3A_42 = arith.constant 0 : i32
      %dma_start3A_43 = arith.constant 0 : i32
      %dma_start3A_44 = tpu.memref_slice %arg13[%dma_start3A_40, %dma_start3A_42, %dma_start3A_43] : memref<4x128x128xf32, #tpu.memory_space<vmem>> -> memref<1x128x128xf32, #tpu.memory_space<vmem>>
      %dma_start3A_45 = tpu.memref_squeeze %dma_start3A_44 : memref<1x128x128xf32, #tpu.memory_space<vmem>> -> memref<128x128xf32, #tpu.memory_space<vmem>>
      %dma_start3A_46 = arith.constant 0 : i32
      %dma_start3A_47 = tpu.memref_slice %arg2[%add3A_39, %dma_start3A_46] : memref<100000x128xf32, #tpu.memory_space<hbm>> -> memref<128x128xf32, #tpu.memory_space<hbm>>
      %dma_start3A_48 = tpu.memref_slice %arg18[%dma_start3A_41] : memref<4x!tpu.dma_semaphore, #tpu.memory_space<semaphore_mem>> -> memref<1x!tpu.dma_semaphore, #tpu.memory_space<semaphore_mem>>
      %dma_start3A_49 = tpu.memref_squeeze %dma_start3A_48 : memref<1x!tpu.dma_semaphore, #tpu.memory_space<semaphore_mem>> -> memref<!tpu.dma_semaphore, #tpu.memory_space<semaphore_mem>>
      %dma_start3A_50 = arith.constant 0 : i32
      %dma_start3A_51 = arith.constant 0 : i32
      %dma_start3A_52 = tpu.memref_slice %arg13[%dma_start3A_40, %dma_start3A_50, %dma_start3A_51] : memref<4x128x128xf32, #tpu.memory_space<vmem>> -> memref<1x128x128xf32, #tpu.memory_space<vmem>>
      %dma_start3A_53 = tpu.memref_squeeze %dma_start3A_52 : memref<1x128x128xf32, #tpu.memory_space<vmem>> -> memref<128x128xf32, #tpu.memory_space<vmem>>
      %dma_start3A_54 = arith.constant 0 : i32
      %dma_start3A_55 = tpu.memref_slice %arg2[%add3A_39, %dma_start3A_54] : memref<100000x128xf32, #tpu.memory_space<hbm>> -> memref<128x128xf32, #tpu.memory_space<hbm>>
      tpu.enqueue_dma source(%dma_start3A_55 : memref<128x128xf32, #tpu.memory_space<hbm>>) target(%dma_start3A_53 : memref<128x128xf32, #tpu.memory_space<vmem>>) target_semaphore(%dma_start3A_49 : memref<!tpu.dma_semaphore, #tpu.memory_space<semaphore_mem>>)
      %lt3A = arith.constant 15 : i32
      %lt3A_56 = arith.cmpi slt, %arg1, %lt3A : i32
      %convert_element_type3A_57 = arith.extui %lt3A_56 : i1 to i32
      %cond3A_58 = arith.constant 0 : i32
      %cond3A_59 = arith.cmpi ne, %convert_element_type3A_57, %cond3A_58 : i32
      scf.if %cond3A_59 {
        %scan3A = arith.constant 0 : i32
        %scan3A_74 = arith.constant 0 : i32
        %scan3A_75 = arith.constant 49 : i32
        %scan3A_76 = arith.addi %scan3A_74, %scan3A_75 : i32
        %scan3A_77 = arith.constant 1 : i32
        scf.for %scan3A_85 = %scan3A_74 to %scan3A_76 step %scan3A_77  : i32 {
          %and3A = arith.constant 3 : i32
          %and3A_86 = arith.andi %scan3A_85, %and3A : i32
          %mul3A_87 = arith.constant 128 : i32
          %mul3A_88 = arith.muli %scan3A_85, %mul3A_87 : i32
          %add3A_89 = arith.addi %mul3A_21, %mul3A_88 : i32
          %dma_wait3A = arith.constant 0 : i32
          %dma_wait3A_90 = arith.constant 0 : i32
          %dma_wait3A_91 = tpu.memref_slice %arg13[%and3A_86, %dma_wait3A, %dma_wait3A_90] : memref<4x128x128xf32, #tpu.memory_space<vmem>> -> memref<1x128x128xf32, #tpu.memory_space<vmem>>
          %dma_wait3A_92 = tpu.memref_squeeze %dma_wait3A_91 : memref<1x128x128xf32, #tpu.memory_space<vmem>> -> memref<128x128xf32, #tpu.memory_space<vmem>>
          %dma_wait3A_93 = arith.constant 0 : i32
          %dma_wait3A_94 = tpu.memref_slice %arg2[%add3A_89, %dma_wait3A_93] : memref<100000x128xf32, #tpu.memory_space<hbm>> -> memref<128x128xf32, #tpu.memory_space<hbm>>
          %dma_wait3A_95 = tpu.memref_slice %arg18[%and3A_86] : memref<4x!tpu.dma_semaphore, #tpu.memory_space<semaphore_mem>> -> memref<1x!tpu.dma_semaphore, #tpu.memory_space<semaphore_mem>>
          %dma_wait3A_96 = tpu.memref_squeeze %dma_wait3A_95 : memref<1x!tpu.dma_semaphore, #tpu.memory_space<semaphore_mem>> -> memref<!tpu.dma_semaphore, #tpu.memory_space<semaphore_mem>>
          %dma_wait3A_97 = arith.constant 0 : i32
          %dma_wait3A_98 = arith.constant 0 : i32
          %dma_wait3A_99 = tpu.memref_slice %arg13[%and3A_86, %dma_wait3A_97, %dma_wait3A_98] : memref<4x128x128xf32, #tpu.memory_space<vmem>> -> memref<1x128x128xf32, #tpu.memory_space<vmem>>
          %dma_wait3A_100 = tpu.memref_squeeze %dma_wait3A_99 : memref<1x128x128xf32, #tpu.memory_space<vmem>> -> memref<128x128xf32, #tpu.memory_space<vmem>>
          %dma_wait3A_101 = arith.constant 0 : i32
          %dma_wait3A_102 = tpu.memref_slice %arg2[%add3A_89, %dma_wait3A_101] : memref<100000x128xf32, #tpu.memory_space<hbm>> -> memref<128x128xf32, #tpu.memory_space<hbm>>
          tpu.wait_dma2 semaphore(%dma_wait3A_96 : memref<!tpu.dma_semaphore, #tpu.memory_space<semaphore_mem>>) src(%dma_wait3A_102 : memref<128x128xf32, #tpu.memory_space<hbm>>) dst(%dma_wait3A_100 : memref<128x128xf32, #tpu.memory_space<vmem>>)
          %dma_start3A_103 = arith.constant 0 : i32
          %dma_start3A_104 = arith.constant 0 : i32
          %dma_start3A_105 = tpu.memref_slice %arg13[%and3A_86, %dma_start3A_103, %dma_start3A_104] : memref<4x128x128xf32, #tpu.memory_space<vmem>> -> memref<1x128x128xf32, #tpu.memory_space<vmem>>
          %dma_start3A_106 = tpu.memref_squeeze %dma_start3A_105 : memref<1x128x128xf32, #tpu.memory_space<vmem>> -> memref<128x128xf32, #tpu.memory_space<vmem>>
          %dma_start3A_107 = arith.constant 0 : i32
          %dma_start3A_108 = tpu.memref_slice %arg12[%scan3A_85, %dma_start3A_107] : memref<49x128xi32, #tpu.memory_space<vmem>> -> memref<1x128xi32, #tpu.memory_space<vmem>>
          %dma_start3A_109 = tpu.memref_squeeze %dma_start3A_108 : memref<1x128xi32, #tpu.memory_space<vmem>> -> memref<128xi32, #tpu.memory_space<vmem>>
          %dma_start3A_110 = arith.constant 0 : i32
          %dma_start3A_111 = arith.constant 0 : i32
          %dma_start3A_112 = tpu.memref_slice %arg16[%dma_start3A_110, %dma_start3A_111] : memref<528x128xf32, #tpu.memory_space<vmem_shared>> -> memref<528x128xf32, #tpu.memory_space<vmem_shared>>
          %dma_start3A_113 = tpu.memref_slice %arg19[%and3A_86] : memref<4x!tpu.dma_semaphore, #tpu.memory_space<semaphore_mem>> -> memref<1x!tpu.dma_semaphore, #tpu.memory_space<semaphore_mem>>
          %dma_start3A_114 = tpu.memref_squeeze %dma_start3A_113 : memref<1x!tpu.dma_semaphore, #tpu.memory_space<semaphore_mem>> -> memref<!tpu.dma_semaphore, #tpu.memory_space<semaphore_mem>>
          tpu.enqueue_indirect_dma source(%dma_start3A_106 : memref<128x128xf32, #tpu.memory_space<vmem>>) target(%dma_start3A_112 : memref<528x128xf32, #tpu.memory_space<vmem_shared>>) offsets(%dma_start3A_109 : memref<128xi32, #tpu.memory_space<vmem>>) semaphore(%dma_start3A_114 : memref<!tpu.dma_semaphore, #tpu.memory_space<semaphore_mem>>) {add = true}
          %dma_start3A_115 = arith.constant 0 : i32
          %dma_start3A_116 = tpu.memref_slice %arg12[%scan3A_85, %dma_start3A_115] : memref<49x128xi32, #tpu.memory_space<vmem>> -> memref<1x128xi32, #tpu.memory_space<vmem>>
          %dma_start3A_117 = tpu.memref_squeeze %dma_start3A_116 : memref<1x128xi32, #tpu.memory_space<vmem>> -> memref<128xi32, #tpu.memory_space<vmem>>
          %dma_start3A_118 = arith.constant 0 : i32
          %dma_start3A_119 = tpu.memref_slice %arg17[%dma_start3A_118] : memref<528xf32, #tpu.memory_space<vmem_shared>> -> memref<528xf32, #tpu.memory_space<vmem_shared>>
          tpu.enqueue_indirect_dma source(%arg14 : memref<128xf32, #tpu.memory_space<vmem>>) target(%dma_start3A_119 : memref<528xf32, #tpu.memory_space<vmem_shared>>) offsets(%dma_start3A_117 : memref<128xi32, #tpu.memory_space<vmem>>) semaphore(%arg20 : memref<!tpu.dma_semaphore, #tpu.memory_space<semaphore_mem>>) {add = true}
          %add3A_120 = arith.constant 2 : i32
          %add3A_121 = arith.addi %scan3A_85, %add3A_120 : i32
          %and3A_122 = arith.constant 3 : i32
          %and3A_123 = arith.andi %add3A_121, %and3A_122 : i32
          %lt3A_124 = arith.constant 49 : i32
          %lt3A_125 = arith.cmpi slt, %add3A_121, %lt3A_124 : i32
          %ge3A = arith.constant 2 : i32
          %ge3A_126 = arith.cmpi sge, %scan3A_85, %ge3A : i32
          %and3A_127 = arith.andi %lt3A_125, %ge3A_126 : i1
          %convert_element_type3A_128 = arith.extui %and3A_127 : i1 to i32
          %cond3A_129 = arith.constant 0 : i32
          %cond3A_130 = arith.cmpi ne, %convert_element_type3A_128, %cond3A_129 : i32
          scf.if %cond3A_130 {
            %sub3A = arith.constant 2 : i32
            %sub3A_139 = arith.subi %scan3A_85, %sub3A : i32
            %dma_wait3A_140 = arith.constant 0 : i32
            %dma_wait3A_141 = arith.constant 0 : i32
            %dma_wait3A_142 = tpu.memref_slice %arg13[%and3A_123, %dma_wait3A_140, %dma_wait3A_141] : memref<4x128x128xf32, #tpu.memory_space<vmem>> -> memref<1x128x128xf32, #tpu.memory_space<vmem>>
            %dma_wait3A_143 = tpu.memref_squeeze %dma_wait3A_142 : memref<1x128x128xf32, #tpu.memory_space<vmem>> -> memref<128x128xf32, #tpu.memory_space<vmem>>
            %dma_wait3A_144 = arith.constant 0 : i32
            %dma_wait3A_145 = tpu.memref_slice %arg12[%sub3A_139, %dma_wait3A_144] : memref<49x128xi32, #tpu.memory_space<vmem>> -> memref<1x128xi32, #tpu.memory_space<vmem>>
            %dma_wait3A_146 = tpu.memref_squeeze %dma_wait3A_145 : memref<1x128xi32, #tpu.memory_space<vmem>> -> memref<128xi32, #tpu.memory_space<vmem>>
            %dma_wait3A_147 = arith.constant 0 : i32
            %dma_wait3A_148 = arith.constant 0 : i32
            %dma_wait3A_149 = tpu.memref_slice %arg16[%dma_wait3A_147, %dma_wait3A_148] : memref<528x128xf32, #tpu.memory_space<vmem_shared>> -> memref<528x128xf32, #tpu.memory_space<vmem_shared>>
            %dma_wait3A_150 = tpu.memref_slice %arg19[%and3A_123] : memref<4x!tpu.dma_semaphore, #tpu.memory_space<semaphore_mem>> -> memref<1x!tpu.dma_semaphore, #tpu.memory_space<semaphore_mem>>
            %dma_wait3A_151 = tpu.memref_squeeze %dma_wait3A_150 : memref<1x!tpu.dma_semaphore, #tpu.memory_space<semaphore_mem>> -> memref<!tpu.dma_semaphore, #tpu.memory_space<semaphore_mem>>
            tpu.wait_indirect_dma semaphore(%dma_wait3A_151 : memref<!tpu.dma_semaphore, #tpu.memory_space<semaphore_mem>>) src(%dma_wait3A_143 : memref<128x128xf32, #tpu.memory_space<vmem>>) dst(%dma_wait3A_149 : memref<528x128xf32, #tpu.memory_space<vmem_shared>>)
            %sub3A_152 = arith.constant 2 : i32
            %sub3A_153 = arith.subi %scan3A_85, %sub3A_152 : i32
            %dma_wait3A_154 = arith.constant 0 : i32
            %dma_wait3A_155 = tpu.memref_slice %arg12[%sub3A_153, %dma_wait3A_154] : memref<49x128xi32, #tpu.memory_space<vmem>> -> memref<1x128xi32, #tpu.memory_space<vmem>>
            %dma_wait3A_156 = tpu.memref_squeeze %dma_wait3A_155 : memref<1x128xi32, #tpu.memory_space<vmem>> -> memref<128xi32, #tpu.memory_space<vmem>>
            %dma_wait3A_157 = arith.constant 0 : i32
            %dma_wait3A_158 = tpu.memref_slice %arg17[%dma_wait3A_157] : memref<528xf32, #tpu.memory_space<vmem_shared>> -> memref<528xf32, #tpu.memory_space<vmem_shared>>
            tpu.wait_indirect_dma semaphore(%arg20 : memref<!tpu.dma_semaphore, #tpu.memory_space<semaphore_mem>>) src(%arg14 : memref<128xf32, #tpu.memory_space<vmem>>) dst(%dma_wait3A_158 : memref<528xf32, #tpu.memory_space<vmem_shared>>)
            %mul3A_159 = arith.constant 128 : i32
            %mul3A_160 = arith.muli %add3A_121, %mul3A_159 : i32
            %add3A_161 = arith.addi %mul3A_21, %mul3A_160 : i32
            %dma_start3A_162 = arith.constant 0 : i32
            %dma_start3A_163 = arith.constant 0 : i32
            %dma_start3A_164 = tpu.memref_slice %arg13[%and3A_123, %dma_start3A_162, %dma_start3A_163] : memref<4x128x128xf32, #tpu.memory_space<vmem>> -> memref<1x128x128xf32, #tpu.memory_space<vmem>>
            %dma_start3A_165 = tpu.memref_squeeze %dma_start3A_164 : memref<1x128x128xf32, #tpu.memory_space<vmem>> -> memref<128x128xf32, #tpu.memory_space<vmem>>
            %dma_start3A_166 = arith.constant 0 : i32
            %dma_start3A_167 = tpu.memref_slice %arg2[%add3A_161, %dma_start3A_166] : memref<100000x128xf32, #tpu.memory_space<hbm>> -> memref<128x128xf32, #tpu.memory_space<hbm>>
            %dma_start3A_168 = tpu.memref_slice %arg18[%and3A_123] : memref<4x!tpu.dma_semaphore, #tpu.memory_space<semaphore_mem>> -> memref<1x!tpu.dma_semaphore, #tpu.memory_space<semaphore_mem>>
            %dma_start3A_169 = tpu.memref_squeeze %dma_start3A_168 : memref<1x!tpu.dma_semaphore, #tpu.memory_space<semaphore_mem>> -> memref<!tpu.dma_semaphore, #tpu.memory_space<semaphore_mem>>
            %dma_start3A_170 = arith.constant 0 : i32
            %dma_start3A_171 = arith.constant 0 : i32
            %dma_start3A_172 = tpu.memref_slice %arg13[%and3A_123, %dma_start3A_170, %dma_start3A_171] : memref<4x128x128xf32, #tpu.memory_space<vmem>> -> memref<1x128x128xf32, #tpu.memory_space<vmem>>
            %dma_start3A_173 = tpu.memref_squeeze %dma_start3A_172 : memref<1x128x128xf32, #tpu.memory_space<vmem>> -> memref<128x128xf32, #tpu.memory_space<vmem>>
            %dma_start3A_174 = arith.constant 0 : i32
            %dma_start3A_175 = tpu.memref_slice %arg2[%add3A_161, %dma_start3A_174] : memref<100000x128xf32, #tpu.memory_space<hbm>> -> memref<128x128xf32, #tpu.memory_space<hbm>>
            tpu.enqueue_dma source(%dma_start3A_175 : memref<128x128xf32, #tpu.memory_space<hbm>>) target(%dma_start3A_173 : memref<128x128xf32, #tpu.memory_space<vmem>>) target_semaphore(%dma_start3A_169 : memref<!tpu.dma_semaphore, #tpu.memory_space<semaphore_mem>>)
          } else {
          }
          %lt3A_131 = arith.constant 49 : i32
          %lt3A_132 = arith.cmpi slt, %add3A_121, %lt3A_131 : i32
          %lt3A_133 = arith.constant 2 : i32
          %lt3A_134 = arith.cmpi slt, %scan3A_85, %lt3A_133 : i32
          %and3A_135 = arith.andi %lt3A_132, %lt3A_134 : i1
          %convert_element_type3A_136 = arith.extui %and3A_135 : i1 to i32
          %cond3A_137 = arith.constant 0 : i32
          %cond3A_138 = arith.cmpi ne, %convert_element_type3A_136, %cond3A_137 : i32
          scf.if %cond3A_138 {
            %mul3A_139 = arith.constant 128 : i32
            %mul3A_140 = arith.muli %add3A_121, %mul3A_139 : i32
            %add3A_141 = arith.addi %mul3A_21, %mul3A_140 : i32
            %dma_start3A_142 = arith.constant 0 : i32
            %dma_start3A_143 = arith.constant 0 : i32
            %dma_start3A_144 = tpu.memref_slice %arg13[%and3A_123, %dma_start3A_142, %dma_start3A_143] : memref<4x128x128xf32, #tpu.memory_space<vmem>> -> memref<1x128x128xf32, #tpu.memory_space<vmem>>
            %dma_start3A_145 = tpu.memref_squeeze %dma_start3A_144 : memref<1x128x128xf32, #tpu.memory_space<vmem>> -> memref<128x128xf32, #tpu.memory_space<vmem>>
            %dma_start3A_146 = arith.constant 0 : i32
            %dma_start3A_147 = tpu.memref_slice %arg2[%add3A_141, %dma_start3A_146] : memref<100000x128xf32, #tpu.memory_space<hbm>> -> memref<128x128xf32, #tpu.memory_space<hbm>>
            %dma_start3A_148 = tpu.memref_slice %arg18[%and3A_123] : memref<4x!tpu.dma_semaphore, #tpu.memory_space<semaphore_mem>> -> memref<1x!tpu.dma_semaphore, #tpu.memory_space<semaphore_mem>>
            %dma_start3A_149 = tpu.memref_squeeze %dma_start3A_148 : memref<1x!tpu.dma_semaphore, #tpu.memory_space<semaphore_mem>> -> memref<!tpu.dma_semaphore, #tpu.memory_space<semaphore_mem>>
            %dma_start3A_150 = arith.constant 0 : i32
            %dma_start3A_151 = arith.constant 0 : i32
            %dma_start3A_152 = tpu.memref_slice %arg13[%and3A_123, %dma_start3A_150, %dma_start3A_151] : memref<4x128x128xf32, #tpu.memory_space<vmem>> -> memref<1x128x128xf32, #tpu.memory_space<vmem>>
            %dma_start3A_153 = tpu.memref_squeeze %dma_start3A_152 : memref<1x128x128xf32, #tpu.memory_space<vmem>> -> memref<128x128xf32, #tpu.memory_space<vmem>>
            %dma_start3A_154 = arith.constant 0 : i32
            %dma_start3A_155 = tpu.memref_slice %arg2[%add3A_141, %dma_start3A_154] : memref<100000x128xf32, #tpu.memory_space<hbm>> -> memref<128x128xf32, #tpu.memory_space<hbm>>
            tpu.enqueue_dma source(%dma_start3A_155 : memref<128x128xf32, #tpu.memory_space<hbm>>) target(%dma_start3A_153 : memref<128x128xf32, #tpu.memory_space<vmem>>) target_semaphore(%dma_start3A_149 : memref<!tpu.dma_semaphore, #tpu.memory_space<semaphore_mem>>)
          } else {
          }
        }
        %scan3A_78 = arith.constant 49 : i32
        %scan3A_79 = arith.constant 0 : i32
        %scan3A_80 = arith.constant 45 : i32
        %scan3A_81 = arith.constant 4 : i32
        %scan3A_82 = arith.addi %scan3A_80, %scan3A_81 : i32
        %scan3A_83 = arith.constant 1 : i32
        scf.for %scan3A_85 = %scan3A_80 to %scan3A_82 step %scan3A_83  : i32 {
          %and3A = arith.constant 3 : i32
          %and3A_86 = arith.andi %scan3A_85, %and3A : i32
          %dma_wait3A = arith.constant 0 : i32
          %dma_wait3A_87 = arith.constant 0 : i32
          %dma_wait3A_88 = tpu.memref_slice %arg13[%and3A_86, %dma_wait3A, %dma_wait3A_87] : memref<4x128x128xf32, #tpu.memory_space<vmem>> -> memref<1x128x128xf32, #tpu.memory_space<vmem>>
          %dma_wait3A_89 = tpu.memref_squeeze %dma_wait3A_88 : memref<1x128x128xf32, #tpu.memory_space<vmem>> -> memref<128x128xf32, #tpu.memory_space<vmem>>
          %dma_wait3A_90 = arith.constant 0 : i32
          %dma_wait3A_91 = tpu.memref_slice %arg12[%scan3A_85, %dma_wait3A_90] : memref<49x128xi32, #tpu.memory_space<vmem>> -> memref<1x128xi32, #tpu.memory_space<vmem>>
          %dma_wait3A_92 = tpu.memref_squeeze %dma_wait3A_91 : memref<1x128xi32, #tpu.memory_space<vmem>> -> memref<128xi32, #tpu.memory_space<vmem>>
          %dma_wait3A_93 = arith.constant 0 : i32
          %dma_wait3A_94 = arith.constant 0 : i32
          %dma_wait3A_95 = tpu.memref_slice %arg16[%dma_wait3A_93, %dma_wait3A_94] : memref<528x128xf32, #tpu.memory_space<vmem_shared>> -> memref<528x128xf32, #tpu.memory_space<vmem_shared>>
          %dma_wait3A_96 = tpu.memref_slice %arg19[%and3A_86] : memref<4x!tpu.dma_semaphore, #tpu.memory_space<semaphore_mem>> -> memref<1x!tpu.dma_semaphore, #tpu.memory_space<semaphore_mem>>
          %dma_wait3A_97 = tpu.memref_squeeze %dma_wait3A_96 : memref<1x!tpu.dma_semaphore, #tpu.memory_space<semaphore_mem>> -> memref<!tpu.dma_semaphore, #tpu.memory_space<semaphore_mem>>
          tpu.wait_indirect_dma semaphore(%dma_wait3A_97 : memref<!tpu.dma_semaphore, #tpu.memory_space<semaphore_mem>>) src(%dma_wait3A_89 : memref<128x128xf32, #tpu.memory_space<vmem>>) dst(%dma_wait3A_95 : memref<528x128xf32, #tpu.memory_space<vmem_shared>>)
          %dma_wait3A_98 = arith.constant 0 : i32
          %dma_wait3A_99 = tpu.memref_slice %arg12[%scan3A_85, %dma_wait3A_98] : memref<49x128xi32, #tpu.memory_space<vmem>> -> memref<1x128xi32, #tpu.memory_space<vmem>>
          %dma_wait3A_100 = tpu.memref_squeeze %dma_wait3A_99 : memref<1x128xi32, #tpu.memory_space<vmem>> -> memref<128xi32, #tpu.memory_space<vmem>>
          %dma_wait3A_101 = arith.constant 0 : i32
          %dma_wait3A_102 = tpu.memref_slice %arg17[%dma_wait3A_101] : memref<528xf32, #tpu.memory_space<vmem_shared>> -> memref<528xf32, #tpu.memory_space<vmem_shared>>
          tpu.wait_indirect_dma semaphore(%arg20 : memref<!tpu.dma_semaphore, #tpu.memory_space<semaphore_mem>>) src(%arg14 : memref<128xf32, #tpu.memory_space<vmem>>) dst(%dma_wait3A_102 : memref<528xf32, #tpu.memory_space<vmem_shared>>)
        }
        %scan3A_84 = arith.constant 4 : i32
      } else {
      }
      %eq3A_60 = arith.constant 15 : i32
      %eq3A_61 = arith.cmpi eq, %arg1, %eq3A_60 : i32
      %convert_element_type3A_62 = arith.extui %eq3A_61 : i1 to i32
      %cond3A_63 = arith.constant 0 : i32
      %cond3A_64 = arith.cmpi ne, %convert_element_type3A_62, %cond3A_63 : i32
      scf.if %cond3A_64 {
        %scan3A = arith.constant 0 : i32
        %scan3A_74 = arith.constant 0 : i32
        %scan3A_75 = arith.constant 46 : i32
        %scan3A_76 = arith.addi %scan3A_74, %scan3A_75 : i32
        %scan3A_77 = arith.constant 1 : i32
        scf.for %scan3A_90 = %scan3A_74 to %scan3A_76 step %scan3A_77  : i32 {
          %and3A = arith.constant 3 : i32
          %and3A_91 = arith.andi %scan3A_90, %and3A : i32
          %mul3A_92 = arith.constant 128 : i32
          %mul3A_93 = arith.muli %scan3A_90, %mul3A_92 : i32
          %add3A_94 = arith.addi %mul3A_21, %mul3A_93 : i32
          %dma_wait3A = arith.constant 0 : i32
          %dma_wait3A_95 = arith.constant 0 : i32
          %dma_wait3A_96 = tpu.memref_slice %arg13[%and3A_91, %dma_wait3A, %dma_wait3A_95] : memref<4x128x128xf32, #tpu.memory_space<vmem>> -> memref<1x128x128xf32, #tpu.memory_space<vmem>>
          %dma_wait3A_97 = tpu.memref_squeeze %dma_wait3A_96 : memref<1x128x128xf32, #tpu.memory_space<vmem>> -> memref<128x128xf32, #tpu.memory_space<vmem>>
          %dma_wait3A_98 = arith.constant 0 : i32
          %dma_wait3A_99 = tpu.memref_slice %arg2[%add3A_94, %dma_wait3A_98] : memref<100000x128xf32, #tpu.memory_space<hbm>> -> memref<128x128xf32, #tpu.memory_space<hbm>>
          %dma_wait3A_100 = tpu.memref_slice %arg18[%and3A_91] : memref<4x!tpu.dma_semaphore, #tpu.memory_space<semaphore_mem>> -> memref<1x!tpu.dma_semaphore, #tpu.memory_space<semaphore_mem>>
          %dma_wait3A_101 = tpu.memref_squeeze %dma_wait3A_100 : memref<1x!tpu.dma_semaphore, #tpu.memory_space<semaphore_mem>> -> memref<!tpu.dma_semaphore, #tpu.memory_space<semaphore_mem>>
          %dma_wait3A_102 = arith.constant 0 : i32
          %dma_wait3A_103 = arith.constant 0 : i32
          %dma_wait3A_104 = tpu.memref_slice %arg13[%and3A_91, %dma_wait3A_102, %dma_wait3A_103] : memref<4x128x128xf32, #tpu.memory_space<vmem>> -> memref<1x128x128xf32, #tpu.memory_space<vmem>>
          %dma_wait3A_105 = tpu.memref_squeeze %dma_wait3A_104 : memref<1x128x128xf32, #tpu.memory_space<vmem>> -> memref<128x128xf32, #tpu.memory_space<vmem>>
          %dma_wait3A_106 = arith.constant 0 : i32
          %dma_wait3A_107 = tpu.memref_slice %arg2[%add3A_94, %dma_wait3A_106] : memref<100000x128xf32, #tpu.memory_space<hbm>> -> memref<128x128xf32, #tpu.memory_space<hbm>>
          tpu.wait_dma2 semaphore(%dma_wait3A_101 : memref<!tpu.dma_semaphore, #tpu.memory_space<semaphore_mem>>) src(%dma_wait3A_107 : memref<128x128xf32, #tpu.memory_space<hbm>>) dst(%dma_wait3A_105 : memref<128x128xf32, #tpu.memory_space<vmem>>)
          %dma_start3A_108 = arith.constant 0 : i32
          %dma_start3A_109 = arith.constant 0 : i32
          %dma_start3A_110 = tpu.memref_slice %arg13[%and3A_91, %dma_start3A_108, %dma_start3A_109] : memref<4x128x128xf32, #tpu.memory_space<vmem>> -> memref<1x128x128xf32, #tpu.memory_space<vmem>>
          %dma_start3A_111 = tpu.memref_squeeze %dma_start3A_110 : memref<1x128x128xf32, #tpu.memory_space<vmem>> -> memref<128x128xf32, #tpu.memory_space<vmem>>
          %dma_start3A_112 = arith.constant 0 : i32
          %dma_start3A_113 = tpu.memref_slice %arg12[%scan3A_90, %dma_start3A_112] : memref<49x128xi32, #tpu.memory_space<vmem>> -> memref<1x128xi32, #tpu.memory_space<vmem>>
          %dma_start3A_114 = tpu.memref_squeeze %dma_start3A_113 : memref<1x128xi32, #tpu.memory_space<vmem>> -> memref<128xi32, #tpu.memory_space<vmem>>
          %dma_start3A_115 = arith.constant 0 : i32
          %dma_start3A_116 = arith.constant 0 : i32
          %dma_start3A_117 = tpu.memref_slice %arg16[%dma_start3A_115, %dma_start3A_116] : memref<528x128xf32, #tpu.memory_space<vmem_shared>> -> memref<528x128xf32, #tpu.memory_space<vmem_shared>>
          %dma_start3A_118 = tpu.memref_slice %arg19[%and3A_91] : memref<4x!tpu.dma_semaphore, #tpu.memory_space<semaphore_mem>> -> memref<1x!tpu.dma_semaphore, #tpu.memory_space<semaphore_mem>>
          %dma_start3A_119 = tpu.memref_squeeze %dma_start3A_118 : memref<1x!tpu.dma_semaphore, #tpu.memory_space<semaphore_mem>> -> memref<!tpu.dma_semaphore, #tpu.memory_space<semaphore_mem>>
          tpu.enqueue_indirect_dma source(%dma_start3A_111 : memref<128x128xf32, #tpu.memory_space<vmem>>) target(%dma_start3A_117 : memref<528x128xf32, #tpu.memory_space<vmem_shared>>) offsets(%dma_start3A_114 : memref<128xi32, #tpu.memory_space<vmem>>) semaphore(%dma_start3A_119 : memref<!tpu.dma_semaphore, #tpu.memory_space<semaphore_mem>>) {add = true}
          %dma_start3A_120 = arith.constant 0 : i32
          %dma_start3A_121 = tpu.memref_slice %arg12[%scan3A_90, %dma_start3A_120] : memref<49x128xi32, #tpu.memory_space<vmem>> -> memref<1x128xi32, #tpu.memory_space<vmem>>
          %dma_start3A_122 = tpu.memref_squeeze %dma_start3A_121 : memref<1x128xi32, #tpu.memory_space<vmem>> -> memref<128xi32, #tpu.memory_space<vmem>>
          %dma_start3A_123 = arith.constant 0 : i32
          %dma_start3A_124 = tpu.memref_slice %arg17[%dma_start3A_123] : memref<528xf32, #tpu.memory_space<vmem_shared>> -> memref<528xf32, #tpu.memory_space<vmem_shared>>
          tpu.enqueue_indirect_dma source(%arg14 : memref<128xf32, #tpu.memory_space<vmem>>) target(%dma_start3A_124 : memref<528xf32, #tpu.memory_space<vmem_shared>>) offsets(%dma_start3A_122 : memref<128xi32, #tpu.memory_space<vmem>>) semaphore(%arg20 : memref<!tpu.dma_semaphore, #tpu.memory_space<semaphore_mem>>) {add = true}
          %add3A_125 = arith.constant 2 : i32
          %add3A_126 = arith.addi %scan3A_90, %add3A_125 : i32
          %and3A_127 = arith.constant 3 : i32
          %and3A_128 = arith.andi %add3A_126, %and3A_127 : i32
          %lt3A_129 = arith.constant 46 : i32
          %lt3A_130 = arith.cmpi slt, %add3A_126, %lt3A_129 : i32
          %ge3A = arith.constant 2 : i32
          %ge3A_131 = arith.cmpi sge, %scan3A_90, %ge3A : i32
          %and3A_132 = arith.andi %lt3A_130, %ge3A_131 : i1
          %convert_element_type3A_133 = arith.extui %and3A_132 : i1 to i32
          %cond3A_134 = arith.constant 0 : i32
          %cond3A_135 = arith.cmpi ne, %convert_element_type3A_133, %cond3A_134 : i32
          scf.if %cond3A_135 {
            %sub3A = arith.constant 2 : i32
            %sub3A_144 = arith.subi %scan3A_90, %sub3A : i32
            %dma_wait3A_145 = arith.constant 0 : i32
            %dma_wait3A_146 = arith.constant 0 : i32
            %dma_wait3A_147 = tpu.memref_slice %arg13[%and3A_128, %dma_wait3A_145, %dma_wait3A_146] : memref<4x128x128xf32, #tpu.memory_space<vmem>> -> memref<1x128x128xf32, #tpu.memory_space<vmem>>
            %dma_wait3A_148 = tpu.memref_squeeze %dma_wait3A_147 : memref<1x128x128xf32, #tpu.memory_space<vmem>> -> memref<128x128xf32, #tpu.memory_space<vmem>>
            %dma_wait3A_149 = arith.constant 0 : i32
            %dma_wait3A_150 = tpu.memref_slice %arg12[%sub3A_144, %dma_wait3A_149] : memref<49x128xi32, #tpu.memory_space<vmem>> -> memref<1x128xi32, #tpu.memory_space<vmem>>
            %dma_wait3A_151 = tpu.memref_squeeze %dma_wait3A_150 : memref<1x128xi32, #tpu.memory_space<vmem>> -> memref<128xi32, #tpu.memory_space<vmem>>
            %dma_wait3A_152 = arith.constant 0 : i32
            %dma_wait3A_153 = arith.constant 0 : i32
            %dma_wait3A_154 = tpu.memref_slice %arg16[%dma_wait3A_152, %dma_wait3A_153] : memref<528x128xf32, #tpu.memory_space<vmem_shared>> -> memref<528x128xf32, #tpu.memory_space<vmem_shared>>
            %dma_wait3A_155 = tpu.memref_slice %arg19[%and3A_128] : memref<4x!tpu.dma_semaphore, #tpu.memory_space<semaphore_mem>> -> memref<1x!tpu.dma_semaphore, #tpu.memory_space<semaphore_mem>>
            %dma_wait3A_156 = tpu.memref_squeeze %dma_wait3A_155 : memref<1x!tpu.dma_semaphore, #tpu.memory_space<semaphore_mem>> -> memref<!tpu.dma_semaphore, #tpu.memory_space<semaphore_mem>>
            tpu.wait_indirect_dma semaphore(%dma_wait3A_156 : memref<!tpu.dma_semaphore, #tpu.memory_space<semaphore_mem>>) src(%dma_wait3A_148 : memref<128x128xf32, #tpu.memory_space<vmem>>) dst(%dma_wait3A_154 : memref<528x128xf32, #tpu.memory_space<vmem_shared>>)
            %sub3A_157 = arith.constant 2 : i32
            %sub3A_158 = arith.subi %scan3A_90, %sub3A_157 : i32
            %dma_wait3A_159 = arith.constant 0 : i32
            %dma_wait3A_160 = tpu.memref_slice %arg12[%sub3A_158, %dma_wait3A_159] : memref<49x128xi32, #tpu.memory_space<vmem>> -> memref<1x128xi32, #tpu.memory_space<vmem>>
            %dma_wait3A_161 = tpu.memref_squeeze %dma_wait3A_160 : memref<1x128xi32, #tpu.memory_space<vmem>> -> memref<128xi32, #tpu.memory_space<vmem>>
            %dma_wait3A_162 = arith.constant 0 : i32
            %dma_wait3A_163 = tpu.memref_slice %arg17[%dma_wait3A_162] : memref<528xf32, #tpu.memory_space<vmem_shared>> -> memref<528xf32, #tpu.memory_space<vmem_shared>>
            tpu.wait_indirect_dma semaphore(%arg20 : memref<!tpu.dma_semaphore, #tpu.memory_space<semaphore_mem>>) src(%arg14 : memref<128xf32, #tpu.memory_space<vmem>>) dst(%dma_wait3A_163 : memref<528xf32, #tpu.memory_space<vmem_shared>>)
            %mul3A_164 = arith.constant 128 : i32
            %mul3A_165 = arith.muli %add3A_126, %mul3A_164 : i32
            %add3A_166 = arith.addi %mul3A_21, %mul3A_165 : i32
            %dma_start3A_167 = arith.constant 0 : i32
            %dma_start3A_168 = arith.constant 0 : i32
            %dma_start3A_169 = tpu.memref_slice %arg13[%and3A_128, %dma_start3A_167, %dma_start3A_168] : memref<4x128x128xf32, #tpu.memory_space<vmem>> -> memref<1x128x128xf32, #tpu.memory_space<vmem>>
            %dma_start3A_170 = tpu.memref_squeeze %dma_start3A_169 : memref<1x128x128xf32, #tpu.memory_space<vmem>> -> memref<128x128xf32, #tpu.memory_space<vmem>>
            %dma_start3A_171 = arith.constant 0 : i32
            %dma_start3A_172 = tpu.memref_slice %arg2[%add3A_166, %dma_start3A_171] : memref<100000x128xf32, #tpu.memory_space<hbm>> -> memref<128x128xf32, #tpu.memory_space<hbm>>
            %dma_start3A_173 = tpu.memref_slice %arg18[%and3A_128] : memref<4x!tpu.dma_semaphore, #tpu.memory_space<semaphore_mem>> -> memref<1x!tpu.dma_semaphore, #tpu.memory_space<semaphore_mem>>
            %dma_start3A_174 = tpu.memref_squeeze %dma_start3A_173 : memref<1x!tpu.dma_semaphore, #tpu.memory_space<semaphore_mem>> -> memref<!tpu.dma_semaphore, #tpu.memory_space<semaphore_mem>>
            %dma_start3A_175 = arith.constant 0 : i32
            %dma_start3A_176 = arith.constant 0 : i32
            %dma_start3A_177 = tpu.memref_slice %arg13[%and3A_128, %dma_start3A_175, %dma_start3A_176] : memref<4x128x128xf32, #tpu.memory_space<vmem>> -> memref<1x128x128xf32, #tpu.memory_space<vmem>>
            %dma_start3A_178 = tpu.memref_squeeze %dma_start3A_177 : memref<1x128x128xf32, #tpu.memory_space<vmem>> -> memref<128x128xf32, #tpu.memory_space<vmem>>
            %dma_start3A_179 = arith.constant 0 : i32
            %dma_start3A_180 = tpu.memref_slice %arg2[%add3A_166, %dma_start3A_179] : memref<100000x128xf32, #tpu.memory_space<hbm>> -> memref<128x128xf32, #tpu.memory_space<hbm>>
            tpu.enqueue_dma source(%dma_start3A_180 : memref<128x128xf32, #tpu.memory_space<hbm>>) target(%dma_start3A_178 : memref<128x128xf32, #tpu.memory_space<vmem>>) target_semaphore(%dma_start3A_174 : memref<!tpu.dma_semaphore, #tpu.memory_space<semaphore_mem>>)
          } else {
          }
          %lt3A_136 = arith.constant 46 : i32
          %lt3A_137 = arith.cmpi slt, %add3A_126, %lt3A_136 : i32
          %lt3A_138 = arith.constant 2 : i32
          %lt3A_139 = arith.cmpi slt, %scan3A_90, %lt3A_138 : i32
          %and3A_140 = arith.andi %lt3A_137, %lt3A_139 : i1
          %convert_element_type3A_141 = arith.extui %and3A_140 : i1 to i32
          %cond3A_142 = arith.constant 0 : i32
          %cond3A_143 = arith.cmpi ne, %convert_element_type3A_141, %cond3A_142 : i32
          scf.if %cond3A_143 {
            %mul3A_144 = arith.constant 128 : i32
            %mul3A_145 = arith.muli %add3A_126, %mul3A_144 : i32
            %add3A_146 = arith.addi %mul3A_21, %mul3A_145 : i32
            %dma_start3A_147 = arith.constant 0 : i32
            %dma_start3A_148 = arith.constant 0 : i32
            %dma_start3A_149 = tpu.memref_slice %arg13[%and3A_128, %dma_start3A_147, %dma_start3A_148] : memref<4x128x128xf32, #tpu.memory_space<vmem>> -> memref<1x128x128xf32, #tpu.memory_space<vmem>>
            %dma_start3A_150 = tpu.memref_squeeze %dma_start3A_149 : memref<1x128x128xf32, #tpu.memory_space<vmem>> -> memref<128x128xf32, #tpu.memory_space<vmem>>
            %dma_start3A_151 = arith.constant 0 : i32
            %dma_start3A_152 = tpu.memref_slice %arg2[%add3A_146, %dma_start3A_151] : memref<100000x128xf32, #tpu.memory_space<hbm>> -> memref<128x128xf32, #tpu.memory_space<hbm>>
            %dma_start3A_153 = tpu.memref_slice %arg18[%and3A_128] : memref<4x!tpu.dma_semaphore, #tpu.memory_space<semaphore_mem>> -> memref<1x!tpu.dma_semaphore, #tpu.memory_space<semaphore_mem>>
            %dma_start3A_154 = tpu.memref_squeeze %dma_start3A_153 : memref<1x!tpu.dma_semaphore, #tpu.memory_space<semaphore_mem>> -> memref<!tpu.dma_semaphore, #tpu.memory_space<semaphore_mem>>
            %dma_start3A_155 = arith.constant 0 : i32
            %dma_start3A_156 = arith.constant 0 : i32
            %dma_start3A_157 = tpu.memref_slice %arg13[%and3A_128, %dma_start3A_155, %dma_start3A_156] : memref<4x128x128xf32, #tpu.memory_space<vmem>> -> memref<1x128x128xf32, #tpu.memory_space<vmem>>
            %dma_start3A_158 = tpu.memref_squeeze %dma_start3A_157 : memref<1x128x128xf32, #tpu.memory_space<vmem>> -> memref<128x128xf32, #tpu.memory_space<vmem>>
            %dma_start3A_159 = arith.constant 0 : i32
            %dma_start3A_160 = tpu.memref_slice %arg2[%add3A_146, %dma_start3A_159] : memref<100000x128xf32, #tpu.memory_space<hbm>> -> memref<128x128xf32, #tpu.memory_space<hbm>>
            tpu.enqueue_dma source(%dma_start3A_160 : memref<128x128xf32, #tpu.memory_space<hbm>>) target(%dma_start3A_158 : memref<128x128xf32, #tpu.memory_space<vmem>>) target_semaphore(%dma_start3A_154 : memref<!tpu.dma_semaphore, #tpu.memory_space<semaphore_mem>>)
          } else {
          }
        }
        %scan3A_78 = arith.constant 46 : i32
        %scan3A_79 = arith.constant 0 : i32
        %scan3A_80 = arith.constant 42 : i32
        %scan3A_81 = arith.constant 4 : i32
        %scan3A_82 = arith.addi %scan3A_80, %scan3A_81 : i32
        %scan3A_83 = arith.constant 1 : i32
        scf.for %scan3A_90 = %scan3A_80 to %scan3A_82 step %scan3A_83  : i32 {
          %and3A = arith.constant 3 : i32
          %and3A_91 = arith.andi %scan3A_90, %and3A : i32
          %dma_wait3A = arith.constant 0 : i32
          %dma_wait3A_92 = arith.constant 0 : i32
          %dma_wait3A_93 = tpu.memref_slice %arg13[%and3A_91, %dma_wait3A, %dma_wait3A_92] : memref<4x128x128xf32, #tpu.memory_space<vmem>> -> memref<1x128x128xf32, #tpu.memory_space<vmem>>
          %dma_wait3A_94 = tpu.memref_squeeze %dma_wait3A_93 : memref<1x128x128xf32, #tpu.memory_space<vmem>> -> memref<128x128xf32, #tpu.memory_space<vmem>>
          %dma_wait3A_95 = arith.constant 0 : i32
          %dma_wait3A_96 = tpu.memref_slice %arg12[%scan3A_90, %dma_wait3A_95] : memref<49x128xi32, #tpu.memory_space<vmem>> -> memref<1x128xi32, #tpu.memory_space<vmem>>
          %dma_wait3A_97 = tpu.memref_squeeze %dma_wait3A_96 : memref<1x128xi32, #tpu.memory_space<vmem>> -> memref<128xi32, #tpu.memory_space<vmem>>
          %dma_wait3A_98 = arith.constant 0 : i32
          %dma_wait3A_99 = arith.constant 0 : i32
          %dma_wait3A_100 = tpu.memref_slice %arg16[%dma_wait3A_98, %dma_wait3A_99] : memref<528x128xf32, #tpu.memory_space<vmem_shared>> -> memref<528x128xf32, #tpu.memory_space<vmem_shared>>
          %dma_wait3A_101 = tpu.memref_slice %arg19[%and3A_91] : memref<4x!tpu.dma_semaphore, #tpu.memory_space<semaphore_mem>> -> memref<1x!tpu.dma_semaphore, #tpu.memory_space<semaphore_mem>>
          %dma_wait3A_102 = tpu.memref_squeeze %dma_wait3A_101 : memref<1x!tpu.dma_semaphore, #tpu.memory_space<semaphore_mem>> -> memref<!tpu.dma_semaphore, #tpu.memory_space<semaphore_mem>>
          tpu.wait_indirect_dma semaphore(%dma_wait3A_102 : memref<!tpu.dma_semaphore, #tpu.memory_space<semaphore_mem>>) src(%dma_wait3A_94 : memref<128x128xf32, #tpu.memory_space<vmem>>) dst(%dma_wait3A_100 : memref<528x128xf32, #tpu.memory_space<vmem_shared>>)
          %dma_wait3A_103 = arith.constant 0 : i32
          %dma_wait3A_104 = tpu.memref_slice %arg12[%scan3A_90, %dma_wait3A_103] : memref<49x128xi32, #tpu.memory_space<vmem>> -> memref<1x128xi32, #tpu.memory_space<vmem>>
          %dma_wait3A_105 = tpu.memref_squeeze %dma_wait3A_104 : memref<1x128xi32, #tpu.memory_space<vmem>> -> memref<128xi32, #tpu.memory_space<vmem>>
          %dma_wait3A_106 = arith.constant 0 : i32
          %dma_wait3A_107 = tpu.memref_slice %arg17[%dma_wait3A_106] : memref<528xf32, #tpu.memory_space<vmem_shared>> -> memref<528xf32, #tpu.memory_space<vmem_shared>>
          tpu.wait_indirect_dma semaphore(%arg20 : memref<!tpu.dma_semaphore, #tpu.memory_space<semaphore_mem>>) src(%arg14 : memref<128xf32, #tpu.memory_space<vmem>>) dst(%dma_wait3A_107 : memref<528xf32, #tpu.memory_space<vmem_shared>>)
        }
        %scan3A_84 = arith.constant 4 : i32
        %add3A_85 = arith.constant 5888 : i32
        %add3A_86 = arith.addi %mul3A_21, %add3A_85 : i32
        %run_scoped3A = arith.constant 0 : i32
        "tpu.region"() ({
          %run_scoped3A_90 = tpu.sem_alloc : memref<!tpu.dma_semaphore, #tpu.memory_space<semaphore_mem>>
          %dma_start3A_91 = arith.constant 0 : i32
          %dma_start3A_92 = arith.constant 0 : i32
          %dma_start3A_93 = tpu.memref_slice %arg13[%run_scoped3A, %dma_start3A_91, %dma_start3A_92] : memref<4x128x128xf32, #tpu.memory_space<vmem>> -> memref<1x32x128xf32, #tpu.memory_space<vmem>>
          %dma_start3A_94 = tpu.memref_squeeze %dma_start3A_93 : memref<1x32x128xf32, #tpu.memory_space<vmem>> -> memref<32x128xf32, #tpu.memory_space<vmem>>
          %dma_start3A_95 = arith.constant 0 : i32
          %dma_start3A_96 = tpu.memref_slice %arg2[%add3A_86, %dma_start3A_95] : memref<100000x128xf32, #tpu.memory_space<hbm>> -> memref<32x128xf32, #tpu.memory_space<hbm>>
          %dma_start3A_97 = arith.constant 0 : i32
          %dma_start3A_98 = arith.constant 0 : i32
          %dma_start3A_99 = tpu.memref_slice %arg13[%run_scoped3A, %dma_start3A_97, %dma_start3A_98] : memref<4x128x128xf32, #tpu.memory_space<vmem>> -> memref<1x32x128xf32, #tpu.memory_space<vmem>>
          %dma_start3A_100 = tpu.memref_squeeze %dma_start3A_99 : memref<1x32x128xf32, #tpu.memory_space<vmem>> -> memref<32x128xf32, #tpu.memory_space<vmem>>
          %dma_start3A_101 = arith.constant 0 : i32
          %dma_start3A_102 = tpu.memref_slice %arg2[%add3A_86, %dma_start3A_101] : memref<100000x128xf32, #tpu.memory_space<hbm>> -> memref<32x128xf32, #tpu.memory_space<hbm>>
          tpu.enqueue_dma source(%dma_start3A_102 : memref<32x128xf32, #tpu.memory_space<hbm>>) target(%dma_start3A_100 : memref<32x128xf32, #tpu.memory_space<vmem>>) target_semaphore(%run_scoped3A_90 : memref<!tpu.dma_semaphore, #tpu.memory_space<semaphore_mem>>)
          %dma_wait3A = arith.constant 0 : i32
          %dma_wait3A_103 = arith.constant 0 : i32
          %dma_wait3A_104 = tpu.memref_slice %arg13[%run_scoped3A, %dma_wait3A, %dma_wait3A_103] : memref<4x128x128xf32, #tpu.memory_space<vmem>> -> memref<1x32x128xf32, #tpu.memory_space<vmem>>
          %dma_wait3A_105 = tpu.memref_squeeze %dma_wait3A_104 : memref<1x32x128xf32, #tpu.memory_space<vmem>> -> memref<32x128xf32, #tpu.memory_space<vmem>>
          %dma_wait3A_106 = arith.constant 0 : i32
          %dma_wait3A_107 = tpu.memref_slice %arg2[%add3A_86, %dma_wait3A_106] : memref<100000x128xf32, #tpu.memory_space<hbm>> -> memref<32x128xf32, #tpu.memory_space<hbm>>
          %dma_wait3A_108 = arith.constant 0 : i32
          %dma_wait3A_109 = arith.constant 0 : i32
          %dma_wait3A_110 = tpu.memref_slice %arg13[%run_scoped3A, %dma_wait3A_108, %dma_wait3A_109] : memref<4x128x128xf32, #tpu.memory_space<vmem>> -> memref<1x32x128xf32, #tpu.memory_space<vmem>>
          %dma_wait3A_111 = tpu.memref_squeeze %dma_wait3A_110 : memref<1x32x128xf32, #tpu.memory_space<vmem>> -> memref<32x128xf32, #tpu.memory_space<vmem>>
          %dma_wait3A_112 = arith.constant 0 : i32
          %dma_wait3A_113 = tpu.memref_slice %arg2[%add3A_86, %dma_wait3A_112] : memref<100000x128xf32, #tpu.memory_space<hbm>> -> memref<32x128xf32, #tpu.memory_space<hbm>>
          tpu.wait_dma2 semaphore(%run_scoped3A_90 : memref<!tpu.dma_semaphore, #tpu.memory_space<semaphore_mem>>) src(%dma_wait3A_113 : memref<32x128xf32, #tpu.memory_space<hbm>>) dst(%dma_wait3A_111 : memref<32x128xf32, #tpu.memory_space<vmem>>)
          tpu.yield
        }) : () -> ()
        %run_scoped3A_87 = arith.constant 0 : i32
        %run_scoped3A_88 = arith.constant 46 : i32
        "tpu.region"() ({
          %run_scoped3A_90 = tpu.sem_alloc : memref<!tpu.dma_semaphore, #tpu.memory_space<semaphore_mem>>
          %dma_start3A_91 = arith.constant 0 : i32
          %dma_start3A_92 = arith.constant 0 : i32
          %dma_start3A_93 = tpu.memref_slice %arg13[%run_scoped3A_87, %dma_start3A_91, %dma_start3A_92] : memref<4x128x128xf32, #tpu.memory_space<vmem>> -> memref<1x128x128xf32, #tpu.memory_space<vmem>>
          %dma_start3A_94 = tpu.memref_squeeze %dma_start3A_93 : memref<1x128x128xf32, #tpu.memory_space<vmem>> -> memref<128x128xf32, #tpu.memory_space<vmem>>
          %dma_start3A_95 = arith.constant 0 : i32
          %dma_start3A_96 = tpu.memref_slice %arg12[%run_scoped3A_88, %dma_start3A_95] : memref<49x128xi32, #tpu.memory_space<vmem>> -> memref<1x128xi32, #tpu.memory_space<vmem>>
          %dma_start3A_97 = tpu.memref_squeeze %dma_start3A_96 : memref<1x128xi32, #tpu.memory_space<vmem>> -> memref<128xi32, #tpu.memory_space<vmem>>
          %dma_start3A_98 = arith.constant 0 : i32
          %dma_start3A_99 = arith.constant 0 : i32
          %dma_start3A_100 = tpu.memref_slice %arg16[%dma_start3A_98, %dma_start3A_99] : memref<528x128xf32, #tpu.memory_space<vmem_shared>> -> memref<528x128xf32, #tpu.memory_space<vmem_shared>>
          tpu.enqueue_indirect_dma source(%dma_start3A_94 : memref<128x128xf32, #tpu.memory_space<vmem>>) target(%dma_start3A_100 : memref<528x128xf32, #tpu.memory_space<vmem_shared>>) offsets(%dma_start3A_97 : memref<128xi32, #tpu.memory_space<vmem>>) semaphore(%run_scoped3A_90 : memref<!tpu.dma_semaphore, #tpu.memory_space<semaphore_mem>>) {add = true}
          %dma_wait3A = arith.constant 0 : i32
          %dma_wait3A_101 = arith.constant 0 : i32
          %dma_wait3A_102 = tpu.memref_slice %arg13[%run_scoped3A_87, %dma_wait3A, %dma_wait3A_101] : memref<4x128x128xf32, #tpu.memory_space<vmem>> -> memref<1x128x128xf32, #tpu.memory_space<vmem>>
          %dma_wait3A_103 = tpu.memref_squeeze %dma_wait3A_102 : memref<1x128x128xf32, #tpu.memory_space<vmem>> -> memref<128x128xf32, #tpu.memory_space<vmem>>
          %dma_wait3A_104 = arith.constant 0 : i32
          %dma_wait3A_105 = tpu.memref_slice %arg12[%run_scoped3A_88, %dma_wait3A_104] : memref<49x128xi32, #tpu.memory_space<vmem>> -> memref<1x128xi32, #tpu.memory_space<vmem>>
          %dma_wait3A_106 = tpu.memref_squeeze %dma_wait3A_105 : memref<1x128xi32, #tpu.memory_space<vmem>> -> memref<128xi32, #tpu.memory_space<vmem>>
          %dma_wait3A_107 = arith.constant 0 : i32
          %dma_wait3A_108 = arith.constant 0 : i32
          %dma_wait3A_109 = tpu.memref_slice %arg16[%dma_wait3A_107, %dma_wait3A_108] : memref<528x128xf32, #tpu.memory_space<vmem_shared>> -> memref<528x128xf32, #tpu.memory_space<vmem_shared>>
          tpu.wait_indirect_dma semaphore(%run_scoped3A_90 : memref<!tpu.dma_semaphore, #tpu.memory_space<semaphore_mem>>) src(%dma_wait3A_103 : memref<128x128xf32, #tpu.memory_space<vmem>>) dst(%dma_wait3A_109 : memref<528x128xf32, #tpu.memory_space<vmem_shared>>)
          tpu.yield
        }) : () -> ()
        %run_scoped3A_89 = arith.constant 46 : i32
        "tpu.region"() ({
          %run_scoped3A_90 = tpu.sem_alloc : memref<!tpu.dma_semaphore, #tpu.memory_space<semaphore_mem>>
          %dma_start3A_91 = arith.constant 0 : i32
          %dma_start3A_92 = tpu.memref_slice %arg12[%run_scoped3A_89, %dma_start3A_91] : memref<49x128xi32, #tpu.memory_space<vmem>> -> memref<1x128xi32, #tpu.memory_space<vmem>>
          %dma_start3A_93 = tpu.memref_squeeze %dma_start3A_92 : memref<1x128xi32, #tpu.memory_space<vmem>> -> memref<128xi32, #tpu.memory_space<vmem>>
          %dma_start3A_94 = arith.constant 0 : i32
          %dma_start3A_95 = tpu.memref_slice %arg17[%dma_start3A_94] : memref<528xf32, #tpu.memory_space<vmem_shared>> -> memref<528xf32, #tpu.memory_space<vmem_shared>>
          tpu.enqueue_indirect_dma source(%arg14 : memref<128xf32, #tpu.memory_space<vmem>>) target(%dma_start3A_95 : memref<528xf32, #tpu.memory_space<vmem_shared>>) offsets(%dma_start3A_93 : memref<128xi32, #tpu.memory_space<vmem>>) semaphore(%run_scoped3A_90 : memref<!tpu.dma_semaphore, #tpu.memory_space<semaphore_mem>>) {add = true}
          %dma_wait3A = arith.constant 0 : i32
          %dma_wait3A_96 = tpu.memref_slice %arg12[%run_scoped3A_89, %dma_wait3A] : memref<49x128xi32, #tpu.memory_space<vmem>> -> memref<1x128xi32, #tpu.memory_space<vmem>>
          %dma_wait3A_97 = tpu.memref_squeeze %dma_wait3A_96 : memref<1x128xi32, #tpu.memory_space<vmem>> -> memref<128xi32, #tpu.memory_space<vmem>>
          %dma_wait3A_98 = arith.constant 0 : i32
          %dma_wait3A_99 = tpu.memref_slice %arg17[%dma_wait3A_98] : memref<528xf32, #tpu.memory_space<vmem_shared>> -> memref<528xf32, #tpu.memory_space<vmem_shared>>
          tpu.wait_indirect_dma semaphore(%run_scoped3A_90 : memref<!tpu.dma_semaphore, #tpu.memory_space<semaphore_mem>>) src(%arg14 : memref<128xf32, #tpu.memory_space<vmem>>) dst(%dma_wait3A_99 : memref<528xf32, #tpu.memory_space<vmem_shared>>)
          tpu.yield
        }) : () -> ()
      } else {
      }
      %barrier3A_65 = arith.constant 0 : index
      tpu.barrier barrier_id(%barrier3A_65)
      %mul3A_66 = arith.constant 32 : i32
      %mul3A_67 = arith.muli %arg1, %mul3A_66 : i32
      %mul3A_68 = arith.constant 32 : i32
      %mul3A_69 = arith.muli %arg1, %mul3A_68 : i32
      "tpu.region"() ({
        %run_scoped3A = tpu.sem_alloc : memref<!tpu.dma_semaphore, #tpu.memory_space<semaphore_mem>>
        %dma_start3A_74 = arith.constant 0 : i32
        %dma_start3A_75 = tpu.memref_slice %arg8[%mul3A_69, %dma_start3A_74] : memref<512x128xf32, #tpu.memory_space<hbm>> -> memref<32x128xf32, #tpu.memory_space<hbm>>
        %dma_start3A_76 = arith.constant 0 : i32
        %dma_start3A_77 = tpu.memref_slice %arg16[%mul3A_67, %dma_start3A_76] : memref<528x128xf32, #tpu.memory_space<vmem_shared>> -> memref<32x128xf32, #tpu.memory_space<vmem_shared>>
        tpu.enqueue_dma source(%dma_start3A_77 : memref<32x128xf32, #tpu.memory_space<vmem_shared>>) target(%dma_start3A_75 : memref<32x128xf32, #tpu.memory_space<hbm>>) target_semaphore(%run_scoped3A : memref<!tpu.dma_semaphore, #tpu.memory_space<semaphore_mem>>)
        %dma_wait3A = arith.constant 0 : i32
        %dma_wait3A_78 = tpu.memref_slice %arg8[%mul3A_69, %dma_wait3A] : memref<512x128xf32, #tpu.memory_space<hbm>> -> memref<32x128xf32, #tpu.memory_space<hbm>>
        %dma_wait3A_79 = arith.constant 0 : i32
        %dma_wait3A_80 = tpu.memref_slice %arg16[%mul3A_67, %dma_wait3A_79] : memref<528x128xf32, #tpu.memory_space<vmem_shared>> -> memref<32x128xf32, #tpu.memory_space<vmem_shared>>
        tpu.wait_dma2 semaphore(%run_scoped3A : memref<!tpu.dma_semaphore, #tpu.memory_space<semaphore_mem>>) src(%dma_wait3A_80 : memref<32x128xf32, #tpu.memory_space<vmem_shared>>) dst(%dma_wait3A_78 : memref<32x128xf32, #tpu.memory_space<hbm>>)
        tpu.yield
      }) : () -> ()
      %mul3A_70 = arith.constant 32 : i32
      %mul3A_71 = arith.muli %arg1, %mul3A_70 : i32
      "tpu.region"() ({
        %run_scoped3A = tpu.sem_alloc : memref<!tpu.dma_semaphore, #tpu.memory_space<semaphore_mem>>
        %dma_start3A_74 = tpu.memref_slice %arg17[%mul3A_71] : memref<528xf32, #tpu.memory_space<vmem_shared>> -> memref<32xf32, #tpu.memory_space<vmem_shared>>
        %dma_start3A_75 = tpu.memref_slice %arg17[%mul3A_71] : memref<528xf32, #tpu.memory_space<vmem_shared>> -> memref<32xf32, #tpu.memory_space<vmem_shared>>
        tpu.enqueue_dma source(%dma_start3A_75 : memref<32xf32, #tpu.memory_space<vmem_shared>>) target(%arg15 : memref<32xf32, #tpu.memory_space<vmem>>) target_semaphore(%run_scoped3A : memref<!tpu.dma_semaphore, #tpu.memory_space<semaphore_mem>>)
        %dma_wait3A = tpu.memref_slice %arg17[%mul3A_71] : memref<528xf32, #tpu.memory_space<vmem_shared>> -> memref<32xf32, #tpu.memory_space<vmem_shared>>
        %dma_wait3A_76 = tpu.memref_slice %arg17[%mul3A_71] : memref<528xf32, #tpu.memory_space<vmem_shared>> -> memref<32xf32, #tpu.memory_space<vmem_shared>>
        tpu.wait_dma2 semaphore(%run_scoped3A : memref<!tpu.dma_semaphore, #tpu.memory_space<semaphore_mem>>) src(%dma_wait3A_76 : memref<32xf32, #tpu.memory_space<vmem_shared>>) dst(%arg15 : memref<32xf32, #tpu.memory_space<vmem>>)
        tpu.yield
      }) : () -> ()
      %mul3A_72 = arith.constant 32 : i32
      %mul3A_73 = arith.muli %arg1, %mul3A_72 : i32
      "tpu.region"() ({
        %run_scoped3A = tpu.sem_alloc : memref<!tpu.dma_semaphore, #tpu.memory_space<semaphore_mem>>
        %dma_start3A_74 = tpu.memref_slice %arg9[%mul3A_73] : memref<512xf32, #tpu.memory_space<hbm>> -> memref<32xf32, #tpu.memory_space<hbm>>
        %dma_start3A_75 = tpu.memref_slice %arg9[%mul3A_73] : memref<512xf32, #tpu.memory_space<hbm>> -> memref<32xf32, #tpu.memory_space<hbm>>
        tpu.enqueue_dma source(%arg15 : memref<32xf32, #tpu.memory_space<vmem>>) target(%dma_start3A_75 : memref<32xf32, #tpu.memory_space<hbm>>) target_semaphore(%run_scoped3A : memref<!tpu.dma_semaphore, #tpu.memory_space<semaphore_mem>>)
        %dma_wait3A = tpu.memref_slice %arg9[%mul3A_73] : memref<512xf32, #tpu.memory_space<hbm>> -> memref<32xf32, #tpu.memory_space<hbm>>
        %dma_wait3A_76 = tpu.memref_slice %arg9[%mul3A_73] : memref<512xf32, #tpu.memory_space<hbm>> -> memref<32xf32, #tpu.memory_space<hbm>>
        tpu.wait_dma2 semaphore(%run_scoped3A : memref<!tpu.dma_semaphore, #tpu.memory_space<semaphore_mem>>) src(%arg15 : memref<32xf32, #tpu.memory_space<vmem>>) dst(%dma_wait3A_76 : memref<32xf32, #tpu.memory_space<hbm>>)
        tpu.yield
      }) : () -> ()
    } else {
    }
    %eq3A_15 = arith.constant 1 : i32
    %eq3A_16 = arith.cmpi eq, %arg0, %eq3A_15 : i32
    %convert_element_type3A_17 = arith.extui %eq3A_16 : i1 to i32
    %cond3A_18 = arith.constant 0 : i32
    %cond3A_19 = arith.cmpi ne, %convert_element_type3A_17, %cond3A_18 : i32
    scf.if %cond3A_19 {
      "tpu.region"() ({
        %run_scoped3A = tpu.sem_alloc : memref<!tpu.dma_semaphore, #tpu.memory_space<semaphore_mem>>
        %dma_start3A_74 = arith.constant 0 : i32
        %dma_start3A_75 = arith.constant 0 : i32
        %dma_start3A_76 = tpu.memref_slice %arg5[%arg1, %dma_start3A_74, %dma_start3A_75] : memref<16x49x128xi32, #tpu.memory_space<hbm>> -> memref<1x49x128xi32, #tpu.memory_space<hbm>>
        %dma_start3A_77 = tpu.memref_squeeze %dma_start3A_76 : memref<1x49x128xi32, #tpu.memory_space<hbm>> -> memref<49x128xi32, #tpu.memory_space<hbm>>
        %dma_start3A_78 = arith.constant 0 : i32
        %dma_start3A_79 = arith.constant 0 : i32
        %dma_start3A_80 = tpu.memref_slice %arg5[%arg1, %dma_start3A_78, %dma_start3A_79] : memref<16x49x128xi32, #tpu.memory_space<hbm>> -> memref<1x49x128xi32, #tpu.memory_space<hbm>>
        %dma_start3A_81 = tpu.memref_squeeze %dma_start3A_80 : memref<1x49x128xi32, #tpu.memory_space<hbm>> -> memref<49x128xi32, #tpu.memory_space<hbm>>
        tpu.enqueue_dma source(%dma_start3A_81 : memref<49x128xi32, #tpu.memory_space<hbm>>) target(%arg12 : memref<49x128xi32, #tpu.memory_space<vmem>>) target_semaphore(%run_scoped3A : memref<!tpu.dma_semaphore, #tpu.memory_space<semaphore_mem>>)
        %dma_wait3A = arith.constant 0 : i32
        %dma_wait3A_82 = arith.constant 0 : i32
        %dma_wait3A_83 = tpu.memref_slice %arg5[%arg1, %dma_wait3A, %dma_wait3A_82] : memref<16x49x128xi32, #tpu.memory_space<hbm>> -> memref<1x49x128xi32, #tpu.memory_space<hbm>>
        %dma_wait3A_84 = tpu.memref_squeeze %dma_wait3A_83 : memref<1x49x128xi32, #tpu.memory_space<hbm>> -> memref<49x128xi32, #tpu.memory_space<hbm>>
        %dma_wait3A_85 = arith.constant 0 : i32
        %dma_wait3A_86 = arith.constant 0 : i32
        %dma_wait3A_87 = tpu.memref_slice %arg5[%arg1, %dma_wait3A_85, %dma_wait3A_86] : memref<16x49x128xi32, #tpu.memory_space<hbm>> -> memref<1x49x128xi32, #tpu.memory_space<hbm>>
        %dma_wait3A_88 = tpu.memref_squeeze %dma_wait3A_87 : memref<1x49x128xi32, #tpu.memory_space<hbm>> -> memref<49x128xi32, #tpu.memory_space<hbm>>
        tpu.wait_dma2 semaphore(%run_scoped3A : memref<!tpu.dma_semaphore, #tpu.memory_space<semaphore_mem>>) src(%dma_wait3A_88 : memref<49x128xi32, #tpu.memory_space<hbm>>) dst(%arg12 : memref<49x128xi32, #tpu.memory_space<vmem>>)
        tpu.yield
      }) : () -> ()
      %mul3A_20 = arith.constant 6272 : i32
      %mul3A_21 = arith.muli %arg1, %mul3A_20 : i32
      %add3A = arith.constant 0 : i32
      %add3A_22 = arith.addi %mul3A_21, %add3A : i32
      %dma_start3A = arith.constant 0 : i32
      %dma_start3A_23 = arith.constant 0 : i32
      %dma_start3A_24 = arith.constant 0 : i32
      %dma_start3A_25 = arith.constant 0 : i32
      %dma_start3A_26 = tpu.memref_slice %arg13[%dma_start3A, %dma_start3A_24, %dma_start3A_25] : memref<4x128x128xf32, #tpu.memory_space<vmem>> -> memref<1x128x128xf32, #tpu.memory_space<vmem>>
      %dma_start3A_27 = tpu.memref_squeeze %dma_start3A_26 : memref<1x128x128xf32, #tpu.memory_space<vmem>> -> memref<128x128xf32, #tpu.memory_space<vmem>>
      %dma_start3A_28 = arith.constant 0 : i32
      %dma_start3A_29 = tpu.memref_slice %arg4[%add3A_22, %dma_start3A_28] : memref<100000x128xf32, #tpu.memory_space<hbm>> -> memref<128x128xf32, #tpu.memory_space<hbm>>
      %dma_start3A_30 = tpu.memref_slice %arg18[%dma_start3A_23] : memref<4x!tpu.dma_semaphore, #tpu.memory_space<semaphore_mem>> -> memref<1x!tpu.dma_semaphore, #tpu.memory_space<semaphore_mem>>
      %dma_start3A_31 = tpu.memref_squeeze %dma_start3A_30 : memref<1x!tpu.dma_semaphore, #tpu.memory_space<semaphore_mem>> -> memref<!tpu.dma_semaphore, #tpu.memory_space<semaphore_mem>>
      %dma_start3A_32 = arith.constant 0 : i32
      %dma_start3A_33 = arith.constant 0 : i32
      %dma_start3A_34 = tpu.memref_slice %arg13[%dma_start3A, %dma_start3A_32, %dma_start3A_33] : memref<4x128x128xf32, #tpu.memory_space<vmem>> -> memref<1x128x128xf32, #tpu.memory_space<vmem>>
      %dma_start3A_35 = tpu.memref_squeeze %dma_start3A_34 : memref<1x128x128xf32, #tpu.memory_space<vmem>> -> memref<128x128xf32, #tpu.memory_space<vmem>>
      %dma_start3A_36 = arith.constant 0 : i32
      %dma_start3A_37 = tpu.memref_slice %arg4[%add3A_22, %dma_start3A_36] : memref<100000x128xf32, #tpu.memory_space<hbm>> -> memref<128x128xf32, #tpu.memory_space<hbm>>
      tpu.enqueue_dma source(%dma_start3A_37 : memref<128x128xf32, #tpu.memory_space<hbm>>) target(%dma_start3A_35 : memref<128x128xf32, #tpu.memory_space<vmem>>) target_semaphore(%dma_start3A_31 : memref<!tpu.dma_semaphore, #tpu.memory_space<semaphore_mem>>)
      %add3A_38 = arith.constant 128 : i32
      %add3A_39 = arith.addi %mul3A_21, %add3A_38 : i32
      %dma_start3A_40 = arith.constant 1 : i32
      %dma_start3A_41 = arith.constant 1 : i32
      %dma_start3A_42 = arith.constant 0 : i32
      %dma_start3A_43 = arith.constant 0 : i32
      %dma_start3A_44 = tpu.memref_slice %arg13[%dma_start3A_40, %dma_start3A_42, %dma_start3A_43] : memref<4x128x128xf32, #tpu.memory_space<vmem>> -> memref<1x128x128xf32, #tpu.memory_space<vmem>>
      %dma_start3A_45 = tpu.memref_squeeze %dma_start3A_44 : memref<1x128x128xf32, #tpu.memory_space<vmem>> -> memref<128x128xf32, #tpu.memory_space<vmem>>
      %dma_start3A_46 = arith.constant 0 : i32
      %dma_start3A_47 = tpu.memref_slice %arg4[%add3A_39, %dma_start3A_46] : memref<100000x128xf32, #tpu.memory_space<hbm>> -> memref<128x128xf32, #tpu.memory_space<hbm>>
      %dma_start3A_48 = tpu.memref_slice %arg18[%dma_start3A_41] : memref<4x!tpu.dma_semaphore, #tpu.memory_space<semaphore_mem>> -> memref<1x!tpu.dma_semaphore, #tpu.memory_space<semaphore_mem>>
      %dma_start3A_49 = tpu.memref_squeeze %dma_start3A_48 : memref<1x!tpu.dma_semaphore, #tpu.memory_space<semaphore_mem>> -> memref<!tpu.dma_semaphore, #tpu.memory_space<semaphore_mem>>
      %dma_start3A_50 = arith.constant 0 : i32
      %dma_start3A_51 = arith.constant 0 : i32
      %dma_start3A_52 = tpu.memref_slice %arg13[%dma_start3A_40, %dma_start3A_50, %dma_start3A_51] : memref<4x128x128xf32, #tpu.memory_space<vmem>> -> memref<1x128x128xf32, #tpu.memory_space<vmem>>
      %dma_start3A_53 = tpu.memref_squeeze %dma_start3A_52 : memref<1x128x128xf32, #tpu.memory_space<vmem>> -> memref<128x128xf32, #tpu.memory_space<vmem>>
      %dma_start3A_54 = arith.constant 0 : i32
      %dma_start3A_55 = tpu.memref_slice %arg4[%add3A_39, %dma_start3A_54] : memref<100000x128xf32, #tpu.memory_space<hbm>> -> memref<128x128xf32, #tpu.memory_space<hbm>>
      tpu.enqueue_dma source(%dma_start3A_55 : memref<128x128xf32, #tpu.memory_space<hbm>>) target(%dma_start3A_53 : memref<128x128xf32, #tpu.memory_space<vmem>>) target_semaphore(%dma_start3A_49 : memref<!tpu.dma_semaphore, #tpu.memory_space<semaphore_mem>>)
      %lt3A = arith.constant 15 : i32
      %lt3A_56 = arith.cmpi slt, %arg1, %lt3A : i32
      %convert_element_type3A_57 = arith.extui %lt3A_56 : i1 to i32
      %cond3A_58 = arith.constant 0 : i32
      %cond3A_59 = arith.cmpi ne, %convert_element_type3A_57, %cond3A_58 : i32
      scf.if %cond3A_59 {
        %scan3A = arith.constant 0 : i32
        %scan3A_74 = arith.constant 0 : i32
        %scan3A_75 = arith.constant 49 : i32
        %scan3A_76 = arith.addi %scan3A_74, %scan3A_75 : i32
        %scan3A_77 = arith.constant 1 : i32
        scf.for %scan3A_85 = %scan3A_74 to %scan3A_76 step %scan3A_77  : i32 {
          %and3A = arith.constant 3 : i32
          %and3A_86 = arith.andi %scan3A_85, %and3A : i32
          %mul3A_87 = arith.constant 128 : i32
          %mul3A_88 = arith.muli %scan3A_85, %mul3A_87 : i32
          %add3A_89 = arith.addi %mul3A_21, %mul3A_88 : i32
          %dma_wait3A = arith.constant 0 : i32
          %dma_wait3A_90 = arith.constant 0 : i32
          %dma_wait3A_91 = tpu.memref_slice %arg13[%and3A_86, %dma_wait3A, %dma_wait3A_90] : memref<4x128x128xf32, #tpu.memory_space<vmem>> -> memref<1x128x128xf32, #tpu.memory_space<vmem>>
          %dma_wait3A_92 = tpu.memref_squeeze %dma_wait3A_91 : memref<1x128x128xf32, #tpu.memory_space<vmem>> -> memref<128x128xf32, #tpu.memory_space<vmem>>
          %dma_wait3A_93 = arith.constant 0 : i32
          %dma_wait3A_94 = tpu.memref_slice %arg4[%add3A_89, %dma_wait3A_93] : memref<100000x128xf32, #tpu.memory_space<hbm>> -> memref<128x128xf32, #tpu.memory_space<hbm>>
          %dma_wait3A_95 = tpu.memref_slice %arg18[%and3A_86] : memref<4x!tpu.dma_semaphore, #tpu.memory_space<semaphore_mem>> -> memref<1x!tpu.dma_semaphore, #tpu.memory_space<semaphore_mem>>
          %dma_wait3A_96 = tpu.memref_squeeze %dma_wait3A_95 : memref<1x!tpu.dma_semaphore, #tpu.memory_space<semaphore_mem>> -> memref<!tpu.dma_semaphore, #tpu.memory_space<semaphore_mem>>
          %dma_wait3A_97 = arith.constant 0 : i32
          %dma_wait3A_98 = arith.constant 0 : i32
          %dma_wait3A_99 = tpu.memref_slice %arg13[%and3A_86, %dma_wait3A_97, %dma_wait3A_98] : memref<4x128x128xf32, #tpu.memory_space<vmem>> -> memref<1x128x128xf32, #tpu.memory_space<vmem>>
          %dma_wait3A_100 = tpu.memref_squeeze %dma_wait3A_99 : memref<1x128x128xf32, #tpu.memory_space<vmem>> -> memref<128x128xf32, #tpu.memory_space<vmem>>
          %dma_wait3A_101 = arith.constant 0 : i32
          %dma_wait3A_102 = tpu.memref_slice %arg4[%add3A_89, %dma_wait3A_101] : memref<100000x128xf32, #tpu.memory_space<hbm>> -> memref<128x128xf32, #tpu.memory_space<hbm>>
          tpu.wait_dma2 semaphore(%dma_wait3A_96 : memref<!tpu.dma_semaphore, #tpu.memory_space<semaphore_mem>>) src(%dma_wait3A_102 : memref<128x128xf32, #tpu.memory_space<hbm>>) dst(%dma_wait3A_100 : memref<128x128xf32, #tpu.memory_space<vmem>>)
          %dma_start3A_103 = arith.constant 0 : i32
          %dma_start3A_104 = arith.constant 0 : i32
          %dma_start3A_105 = tpu.memref_slice %arg13[%and3A_86, %dma_start3A_103, %dma_start3A_104] : memref<4x128x128xf32, #tpu.memory_space<vmem>> -> memref<1x128x128xf32, #tpu.memory_space<vmem>>
          %dma_start3A_106 = tpu.memref_squeeze %dma_start3A_105 : memref<1x128x128xf32, #tpu.memory_space<vmem>> -> memref<128x128xf32, #tpu.memory_space<vmem>>
          %dma_start3A_107 = arith.constant 0 : i32
          %dma_start3A_108 = tpu.memref_slice %arg12[%scan3A_85, %dma_start3A_107] : memref<49x128xi32, #tpu.memory_space<vmem>> -> memref<1x128xi32, #tpu.memory_space<vmem>>
          %dma_start3A_109 = tpu.memref_squeeze %dma_start3A_108 : memref<1x128xi32, #tpu.memory_space<vmem>> -> memref<128xi32, #tpu.memory_space<vmem>>
          %dma_start3A_110 = arith.constant 0 : i32
          %dma_start3A_111 = arith.constant 0 : i32
          %dma_start3A_112 = tpu.memref_slice %arg16[%dma_start3A_110, %dma_start3A_111] : memref<528x128xf32, #tpu.memory_space<vmem_shared>> -> memref<528x128xf32, #tpu.memory_space<vmem_shared>>
          %dma_start3A_113 = tpu.memref_slice %arg19[%and3A_86] : memref<4x!tpu.dma_semaphore, #tpu.memory_space<semaphore_mem>> -> memref<1x!tpu.dma_semaphore, #tpu.memory_space<semaphore_mem>>
          %dma_start3A_114 = tpu.memref_squeeze %dma_start3A_113 : memref<1x!tpu.dma_semaphore, #tpu.memory_space<semaphore_mem>> -> memref<!tpu.dma_semaphore, #tpu.memory_space<semaphore_mem>>
          tpu.enqueue_indirect_dma source(%dma_start3A_106 : memref<128x128xf32, #tpu.memory_space<vmem>>) target(%dma_start3A_112 : memref<528x128xf32, #tpu.memory_space<vmem_shared>>) offsets(%dma_start3A_109 : memref<128xi32, #tpu.memory_space<vmem>>) semaphore(%dma_start3A_114 : memref<!tpu.dma_semaphore, #tpu.memory_space<semaphore_mem>>) {add = true}
          %dma_start3A_115 = arith.constant 0 : i32
          %dma_start3A_116 = tpu.memref_slice %arg12[%scan3A_85, %dma_start3A_115] : memref<49x128xi32, #tpu.memory_space<vmem>> -> memref<1x128xi32, #tpu.memory_space<vmem>>
          %dma_start3A_117 = tpu.memref_squeeze %dma_start3A_116 : memref<1x128xi32, #tpu.memory_space<vmem>> -> memref<128xi32, #tpu.memory_space<vmem>>
          %dma_start3A_118 = arith.constant 0 : i32
          %dma_start3A_119 = tpu.memref_slice %arg17[%dma_start3A_118] : memref<528xf32, #tpu.memory_space<vmem_shared>> -> memref<528xf32, #tpu.memory_space<vmem_shared>>
          tpu.enqueue_indirect_dma source(%arg14 : memref<128xf32, #tpu.memory_space<vmem>>) target(%dma_start3A_119 : memref<528xf32, #tpu.memory_space<vmem_shared>>) offsets(%dma_start3A_117 : memref<128xi32, #tpu.memory_space<vmem>>) semaphore(%arg20 : memref<!tpu.dma_semaphore, #tpu.memory_space<semaphore_mem>>) {add = true}
          %add3A_120 = arith.constant 2 : i32
          %add3A_121 = arith.addi %scan3A_85, %add3A_120 : i32
          %and3A_122 = arith.constant 3 : i32
          %and3A_123 = arith.andi %add3A_121, %and3A_122 : i32
          %lt3A_124 = arith.constant 49 : i32
          %lt3A_125 = arith.cmpi slt, %add3A_121, %lt3A_124 : i32
          %ge3A = arith.constant 2 : i32
          %ge3A_126 = arith.cmpi sge, %scan3A_85, %ge3A : i32
          %and3A_127 = arith.andi %lt3A_125, %ge3A_126 : i1
          %convert_element_type3A_128 = arith.extui %and3A_127 : i1 to i32
          %cond3A_129 = arith.constant 0 : i32
          %cond3A_130 = arith.cmpi ne, %convert_element_type3A_128, %cond3A_129 : i32
          scf.if %cond3A_130 {
            %sub3A = arith.constant 2 : i32
            %sub3A_139 = arith.subi %scan3A_85, %sub3A : i32
            %dma_wait3A_140 = arith.constant 0 : i32
            %dma_wait3A_141 = arith.constant 0 : i32
            %dma_wait3A_142 = tpu.memref_slice %arg13[%and3A_123, %dma_wait3A_140, %dma_wait3A_141] : memref<4x128x128xf32, #tpu.memory_space<vmem>> -> memref<1x128x128xf32, #tpu.memory_space<vmem>>
            %dma_wait3A_143 = tpu.memref_squeeze %dma_wait3A_142 : memref<1x128x128xf32, #tpu.memory_space<vmem>> -> memref<128x128xf32, #tpu.memory_space<vmem>>
            %dma_wait3A_144 = arith.constant 0 : i32
            %dma_wait3A_145 = tpu.memref_slice %arg12[%sub3A_139, %dma_wait3A_144] : memref<49x128xi32, #tpu.memory_space<vmem>> -> memref<1x128xi32, #tpu.memory_space<vmem>>
            %dma_wait3A_146 = tpu.memref_squeeze %dma_wait3A_145 : memref<1x128xi32, #tpu.memory_space<vmem>> -> memref<128xi32, #tpu.memory_space<vmem>>
            %dma_wait3A_147 = arith.constant 0 : i32
            %dma_wait3A_148 = arith.constant 0 : i32
            %dma_wait3A_149 = tpu.memref_slice %arg16[%dma_wait3A_147, %dma_wait3A_148] : memref<528x128xf32, #tpu.memory_space<vmem_shared>> -> memref<528x128xf32, #tpu.memory_space<vmem_shared>>
            %dma_wait3A_150 = tpu.memref_slice %arg19[%and3A_123] : memref<4x!tpu.dma_semaphore, #tpu.memory_space<semaphore_mem>> -> memref<1x!tpu.dma_semaphore, #tpu.memory_space<semaphore_mem>>
            %dma_wait3A_151 = tpu.memref_squeeze %dma_wait3A_150 : memref<1x!tpu.dma_semaphore, #tpu.memory_space<semaphore_mem>> -> memref<!tpu.dma_semaphore, #tpu.memory_space<semaphore_mem>>
            tpu.wait_indirect_dma semaphore(%dma_wait3A_151 : memref<!tpu.dma_semaphore, #tpu.memory_space<semaphore_mem>>) src(%dma_wait3A_143 : memref<128x128xf32, #tpu.memory_space<vmem>>) dst(%dma_wait3A_149 : memref<528x128xf32, #tpu.memory_space<vmem_shared>>)
            %sub3A_152 = arith.constant 2 : i32
            %sub3A_153 = arith.subi %scan3A_85, %sub3A_152 : i32
            %dma_wait3A_154 = arith.constant 0 : i32
            %dma_wait3A_155 = tpu.memref_slice %arg12[%sub3A_153, %dma_wait3A_154] : memref<49x128xi32, #tpu.memory_space<vmem>> -> memref<1x128xi32, #tpu.memory_space<vmem>>
            %dma_wait3A_156 = tpu.memref_squeeze %dma_wait3A_155 : memref<1x128xi32, #tpu.memory_space<vmem>> -> memref<128xi32, #tpu.memory_space<vmem>>
            %dma_wait3A_157 = arith.constant 0 : i32
            %dma_wait3A_158 = tpu.memref_slice %arg17[%dma_wait3A_157] : memref<528xf32, #tpu.memory_space<vmem_shared>> -> memref<528xf32, #tpu.memory_space<vmem_shared>>
            tpu.wait_indirect_dma semaphore(%arg20 : memref<!tpu.dma_semaphore, #tpu.memory_space<semaphore_mem>>) src(%arg14 : memref<128xf32, #tpu.memory_space<vmem>>) dst(%dma_wait3A_158 : memref<528xf32, #tpu.memory_space<vmem_shared>>)
            %mul3A_159 = arith.constant 128 : i32
            %mul3A_160 = arith.muli %add3A_121, %mul3A_159 : i32
            %add3A_161 = arith.addi %mul3A_21, %mul3A_160 : i32
            %dma_start3A_162 = arith.constant 0 : i32
            %dma_start3A_163 = arith.constant 0 : i32
            %dma_start3A_164 = tpu.memref_slice %arg13[%and3A_123, %dma_start3A_162, %dma_start3A_163] : memref<4x128x128xf32, #tpu.memory_space<vmem>> -> memref<1x128x128xf32, #tpu.memory_space<vmem>>
            %dma_start3A_165 = tpu.memref_squeeze %dma_start3A_164 : memref<1x128x128xf32, #tpu.memory_space<vmem>> -> memref<128x128xf32, #tpu.memory_space<vmem>>
            %dma_start3A_166 = arith.constant 0 : i32
            %dma_start3A_167 = tpu.memref_slice %arg4[%add3A_161, %dma_start3A_166] : memref<100000x128xf32, #tpu.memory_space<hbm>> -> memref<128x128xf32, #tpu.memory_space<hbm>>
            %dma_start3A_168 = tpu.memref_slice %arg18[%and3A_123] : memref<4x!tpu.dma_semaphore, #tpu.memory_space<semaphore_mem>> -> memref<1x!tpu.dma_semaphore, #tpu.memory_space<semaphore_mem>>
            %dma_start3A_169 = tpu.memref_squeeze %dma_start3A_168 : memref<1x!tpu.dma_semaphore, #tpu.memory_space<semaphore_mem>> -> memref<!tpu.dma_semaphore, #tpu.memory_space<semaphore_mem>>
            %dma_start3A_170 = arith.constant 0 : i32
            %dma_start3A_171 = arith.constant 0 : i32
            %dma_start3A_172 = tpu.memref_slice %arg13[%and3A_123, %dma_start3A_170, %dma_start3A_171] : memref<4x128x128xf32, #tpu.memory_space<vmem>> -> memref<1x128x128xf32, #tpu.memory_space<vmem>>
            %dma_start3A_173 = tpu.memref_squeeze %dma_start3A_172 : memref<1x128x128xf32, #tpu.memory_space<vmem>> -> memref<128x128xf32, #tpu.memory_space<vmem>>
            %dma_start3A_174 = arith.constant 0 : i32
            %dma_start3A_175 = tpu.memref_slice %arg4[%add3A_161, %dma_start3A_174] : memref<100000x128xf32, #tpu.memory_space<hbm>> -> memref<128x128xf32, #tpu.memory_space<hbm>>
            tpu.enqueue_dma source(%dma_start3A_175 : memref<128x128xf32, #tpu.memory_space<hbm>>) target(%dma_start3A_173 : memref<128x128xf32, #tpu.memory_space<vmem>>) target_semaphore(%dma_start3A_169 : memref<!tpu.dma_semaphore, #tpu.memory_space<semaphore_mem>>)
          } else {
          }
          %lt3A_131 = arith.constant 49 : i32
          %lt3A_132 = arith.cmpi slt, %add3A_121, %lt3A_131 : i32
          %lt3A_133 = arith.constant 2 : i32
          %lt3A_134 = arith.cmpi slt, %scan3A_85, %lt3A_133 : i32
          %and3A_135 = arith.andi %lt3A_132, %lt3A_134 : i1
          %convert_element_type3A_136 = arith.extui %and3A_135 : i1 to i32
          %cond3A_137 = arith.constant 0 : i32
          %cond3A_138 = arith.cmpi ne, %convert_element_type3A_136, %cond3A_137 : i32
          scf.if %cond3A_138 {
            %mul3A_139 = arith.constant 128 : i32
            %mul3A_140 = arith.muli %add3A_121, %mul3A_139 : i32
            %add3A_141 = arith.addi %mul3A_21, %mul3A_140 : i32
            %dma_start3A_142 = arith.constant 0 : i32
            %dma_start3A_143 = arith.constant 0 : i32
            %dma_start3A_144 = tpu.memref_slice %arg13[%and3A_123, %dma_start3A_142, %dma_start3A_143] : memref<4x128x128xf32, #tpu.memory_space<vmem>> -> memref<1x128x128xf32, #tpu.memory_space<vmem>>
            %dma_start3A_145 = tpu.memref_squeeze %dma_start3A_144 : memref<1x128x128xf32, #tpu.memory_space<vmem>> -> memref<128x128xf32, #tpu.memory_space<vmem>>
            %dma_start3A_146 = arith.constant 0 : i32
            %dma_start3A_147 = tpu.memref_slice %arg4[%add3A_141, %dma_start3A_146] : memref<100000x128xf32, #tpu.memory_space<hbm>> -> memref<128x128xf32, #tpu.memory_space<hbm>>
            %dma_start3A_148 = tpu.memref_slice %arg18[%and3A_123] : memref<4x!tpu.dma_semaphore, #tpu.memory_space<semaphore_mem>> -> memref<1x!tpu.dma_semaphore, #tpu.memory_space<semaphore_mem>>
            %dma_start3A_149 = tpu.memref_squeeze %dma_start3A_148 : memref<1x!tpu.dma_semaphore, #tpu.memory_space<semaphore_mem>> -> memref<!tpu.dma_semaphore, #tpu.memory_space<semaphore_mem>>
            %dma_start3A_150 = arith.constant 0 : i32
            %dma_start3A_151 = arith.constant 0 : i32
            %dma_start3A_152 = tpu.memref_slice %arg13[%and3A_123, %dma_start3A_150, %dma_start3A_151] : memref<4x128x128xf32, #tpu.memory_space<vmem>> -> memref<1x128x128xf32, #tpu.memory_space<vmem>>
            %dma_start3A_153 = tpu.memref_squeeze %dma_start3A_152 : memref<1x128x128xf32, #tpu.memory_space<vmem>> -> memref<128x128xf32, #tpu.memory_space<vmem>>
            %dma_start3A_154 = arith.constant 0 : i32
            %dma_start3A_155 = tpu.memref_slice %arg4[%add3A_141, %dma_start3A_154] : memref<100000x128xf32, #tpu.memory_space<hbm>> -> memref<128x128xf32, #tpu.memory_space<hbm>>
            tpu.enqueue_dma source(%dma_start3A_155 : memref<128x128xf32, #tpu.memory_space<hbm>>) target(%dma_start3A_153 : memref<128x128xf32, #tpu.memory_space<vmem>>) target_semaphore(%dma_start3A_149 : memref<!tpu.dma_semaphore, #tpu.memory_space<semaphore_mem>>)
          } else {
          }
        }
        %scan3A_78 = arith.constant 49 : i32
        %scan3A_79 = arith.constant 0 : i32
        %scan3A_80 = arith.constant 45 : i32
        %scan3A_81 = arith.constant 4 : i32
        %scan3A_82 = arith.addi %scan3A_80, %scan3A_81 : i32
        %scan3A_83 = arith.constant 1 : i32
        scf.for %scan3A_85 = %scan3A_80 to %scan3A_82 step %scan3A_83  : i32 {
          %and3A = arith.constant 3 : i32
          %and3A_86 = arith.andi %scan3A_85, %and3A : i32
          %dma_wait3A = arith.constant 0 : i32
          %dma_wait3A_87 = arith.constant 0 : i32
          %dma_wait3A_88 = tpu.memref_slice %arg13[%and3A_86, %dma_wait3A, %dma_wait3A_87] : memref<4x128x128xf32, #tpu.memory_space<vmem>> -> memref<1x128x128xf32, #tpu.memory_space<vmem>>
          %dma_wait3A_89 = tpu.memref_squeeze %dma_wait3A_88 : memref<1x128x128xf32, #tpu.memory_space<vmem>> -> memref<128x128xf32, #tpu.memory_space<vmem>>
          %dma_wait3A_90 = arith.constant 0 : i32
          %dma_wait3A_91 = tpu.memref_slice %arg12[%scan3A_85, %dma_wait3A_90] : memref<49x128xi32, #tpu.memory_space<vmem>> -> memref<1x128xi32, #tpu.memory_space<vmem>>
          %dma_wait3A_92 = tpu.memref_squeeze %dma_wait3A_91 : memref<1x128xi32, #tpu.memory_space<vmem>> -> memref<128xi32, #tpu.memory_space<vmem>>
          %dma_wait3A_93 = arith.constant 0 : i32
          %dma_wait3A_94 = arith.constant 0 : i32
          %dma_wait3A_95 = tpu.memref_slice %arg16[%dma_wait3A_93, %dma_wait3A_94] : memref<528x128xf32, #tpu.memory_space<vmem_shared>> -> memref<528x128xf32, #tpu.memory_space<vmem_shared>>
          %dma_wait3A_96 = tpu.memref_slice %arg19[%and3A_86] : memref<4x!tpu.dma_semaphore, #tpu.memory_space<semaphore_mem>> -> memref<1x!tpu.dma_semaphore, #tpu.memory_space<semaphore_mem>>
          %dma_wait3A_97 = tpu.memref_squeeze %dma_wait3A_96 : memref<1x!tpu.dma_semaphore, #tpu.memory_space<semaphore_mem>> -> memref<!tpu.dma_semaphore, #tpu.memory_space<semaphore_mem>>
          tpu.wait_indirect_dma semaphore(%dma_wait3A_97 : memref<!tpu.dma_semaphore, #tpu.memory_space<semaphore_mem>>) src(%dma_wait3A_89 : memref<128x128xf32, #tpu.memory_space<vmem>>) dst(%dma_wait3A_95 : memref<528x128xf32, #tpu.memory_space<vmem_shared>>)
          %dma_wait3A_98 = arith.constant 0 : i32
          %dma_wait3A_99 = tpu.memref_slice %arg12[%scan3A_85, %dma_wait3A_98] : memref<49x128xi32, #tpu.memory_space<vmem>> -> memref<1x128xi32, #tpu.memory_space<vmem>>
          %dma_wait3A_100 = tpu.memref_squeeze %dma_wait3A_99 : memref<1x128xi32, #tpu.memory_space<vmem>> -> memref<128xi32, #tpu.memory_space<vmem>>
          %dma_wait3A_101 = arith.constant 0 : i32
          %dma_wait3A_102 = tpu.memref_slice %arg17[%dma_wait3A_101] : memref<528xf32, #tpu.memory_space<vmem_shared>> -> memref<528xf32, #tpu.memory_space<vmem_shared>>
          tpu.wait_indirect_dma semaphore(%arg20 : memref<!tpu.dma_semaphore, #tpu.memory_space<semaphore_mem>>) src(%arg14 : memref<128xf32, #tpu.memory_space<vmem>>) dst(%dma_wait3A_102 : memref<528xf32, #tpu.memory_space<vmem_shared>>)
        }
        %scan3A_84 = arith.constant 4 : i32
      } else {
      }
      %eq3A_60 = arith.constant 15 : i32
      %eq3A_61 = arith.cmpi eq, %arg1, %eq3A_60 : i32
      %convert_element_type3A_62 = arith.extui %eq3A_61 : i1 to i32
      %cond3A_63 = arith.constant 0 : i32
      %cond3A_64 = arith.cmpi ne, %convert_element_type3A_62, %cond3A_63 : i32
      scf.if %cond3A_64 {
        %scan3A = arith.constant 0 : i32
        %scan3A_74 = arith.constant 0 : i32
        %scan3A_75 = arith.constant 46 : i32
        %scan3A_76 = arith.addi %scan3A_74, %scan3A_75 : i32
        %scan3A_77 = arith.constant 1 : i32
        scf.for %scan3A_90 = %scan3A_74 to %scan3A_76 step %scan3A_77  : i32 {
          %and3A = arith.constant 3 : i32
          %and3A_91 = arith.andi %scan3A_90, %and3A : i32
          %mul3A_92 = arith.constant 128 : i32
          %mul3A_93 = arith.muli %scan3A_90, %mul3A_92 : i32
          %add3A_94 = arith.addi %mul3A_21, %mul3A_93 : i32
          %dma_wait3A = arith.constant 0 : i32
          %dma_wait3A_95 = arith.constant 0 : i32
          %dma_wait3A_96 = tpu.memref_slice %arg13[%and3A_91, %dma_wait3A, %dma_wait3A_95] : memref<4x128x128xf32, #tpu.memory_space<vmem>> -> memref<1x128x128xf32, #tpu.memory_space<vmem>>
          %dma_wait3A_97 = tpu.memref_squeeze %dma_wait3A_96 : memref<1x128x128xf32, #tpu.memory_space<vmem>> -> memref<128x128xf32, #tpu.memory_space<vmem>>
          %dma_wait3A_98 = arith.constant 0 : i32
          %dma_wait3A_99 = tpu.memref_slice %arg4[%add3A_94, %dma_wait3A_98] : memref<100000x128xf32, #tpu.memory_space<hbm>> -> memref<128x128xf32, #tpu.memory_space<hbm>>
          %dma_wait3A_100 = tpu.memref_slice %arg18[%and3A_91] : memref<4x!tpu.dma_semaphore, #tpu.memory_space<semaphore_mem>> -> memref<1x!tpu.dma_semaphore, #tpu.memory_space<semaphore_mem>>
          %dma_wait3A_101 = tpu.memref_squeeze %dma_wait3A_100 : memref<1x!tpu.dma_semaphore, #tpu.memory_space<semaphore_mem>> -> memref<!tpu.dma_semaphore, #tpu.memory_space<semaphore_mem>>
          %dma_wait3A_102 = arith.constant 0 : i32
          %dma_wait3A_103 = arith.constant 0 : i32
          %dma_wait3A_104 = tpu.memref_slice %arg13[%and3A_91, %dma_wait3A_102, %dma_wait3A_103] : memref<4x128x128xf32, #tpu.memory_space<vmem>> -> memref<1x128x128xf32, #tpu.memory_space<vmem>>
          %dma_wait3A_105 = tpu.memref_squeeze %dma_wait3A_104 : memref<1x128x128xf32, #tpu.memory_space<vmem>> -> memref<128x128xf32, #tpu.memory_space<vmem>>
          %dma_wait3A_106 = arith.constant 0 : i32
          %dma_wait3A_107 = tpu.memref_slice %arg4[%add3A_94, %dma_wait3A_106] : memref<100000x128xf32, #tpu.memory_space<hbm>> -> memref<128x128xf32, #tpu.memory_space<hbm>>
          tpu.wait_dma2 semaphore(%dma_wait3A_101 : memref<!tpu.dma_semaphore, #tpu.memory_space<semaphore_mem>>) src(%dma_wait3A_107 : memref<128x128xf32, #tpu.memory_space<hbm>>) dst(%dma_wait3A_105 : memref<128x128xf32, #tpu.memory_space<vmem>>)
          %dma_start3A_108 = arith.constant 0 : i32
          %dma_start3A_109 = arith.constant 0 : i32
          %dma_start3A_110 = tpu.memref_slice %arg13[%and3A_91, %dma_start3A_108, %dma_start3A_109] : memref<4x128x128xf32, #tpu.memory_space<vmem>> -> memref<1x128x128xf32, #tpu.memory_space<vmem>>
          %dma_start3A_111 = tpu.memref_squeeze %dma_start3A_110 : memref<1x128x128xf32, #tpu.memory_space<vmem>> -> memref<128x128xf32, #tpu.memory_space<vmem>>
          %dma_start3A_112 = arith.constant 0 : i32
          %dma_start3A_113 = tpu.memref_slice %arg12[%scan3A_90, %dma_start3A_112] : memref<49x128xi32, #tpu.memory_space<vmem>> -> memref<1x128xi32, #tpu.memory_space<vmem>>
          %dma_start3A_114 = tpu.memref_squeeze %dma_start3A_113 : memref<1x128xi32, #tpu.memory_space<vmem>> -> memref<128xi32, #tpu.memory_space<vmem>>
          %dma_start3A_115 = arith.constant 0 : i32
          %dma_start3A_116 = arith.constant 0 : i32
          %dma_start3A_117 = tpu.memref_slice %arg16[%dma_start3A_115, %dma_start3A_116] : memref<528x128xf32, #tpu.memory_space<vmem_shared>> -> memref<528x128xf32, #tpu.memory_space<vmem_shared>>
          %dma_start3A_118 = tpu.memref_slice %arg19[%and3A_91] : memref<4x!tpu.dma_semaphore, #tpu.memory_space<semaphore_mem>> -> memref<1x!tpu.dma_semaphore, #tpu.memory_space<semaphore_mem>>
          %dma_start3A_119 = tpu.memref_squeeze %dma_start3A_118 : memref<1x!tpu.dma_semaphore, #tpu.memory_space<semaphore_mem>> -> memref<!tpu.dma_semaphore, #tpu.memory_space<semaphore_mem>>
          tpu.enqueue_indirect_dma source(%dma_start3A_111 : memref<128x128xf32, #tpu.memory_space<vmem>>) target(%dma_start3A_117 : memref<528x128xf32, #tpu.memory_space<vmem_shared>>) offsets(%dma_start3A_114 : memref<128xi32, #tpu.memory_space<vmem>>) semaphore(%dma_start3A_119 : memref<!tpu.dma_semaphore, #tpu.memory_space<semaphore_mem>>) {add = true}
          %dma_start3A_120 = arith.constant 0 : i32
          %dma_start3A_121 = tpu.memref_slice %arg12[%scan3A_90, %dma_start3A_120] : memref<49x128xi32, #tpu.memory_space<vmem>> -> memref<1x128xi32, #tpu.memory_space<vmem>>
          %dma_start3A_122 = tpu.memref_squeeze %dma_start3A_121 : memref<1x128xi32, #tpu.memory_space<vmem>> -> memref<128xi32, #tpu.memory_space<vmem>>
          %dma_start3A_123 = arith.constant 0 : i32
          %dma_start3A_124 = tpu.memref_slice %arg17[%dma_start3A_123] : memref<528xf32, #tpu.memory_space<vmem_shared>> -> memref<528xf32, #tpu.memory_space<vmem_shared>>
          tpu.enqueue_indirect_dma source(%arg14 : memref<128xf32, #tpu.memory_space<vmem>>) target(%dma_start3A_124 : memref<528xf32, #tpu.memory_space<vmem_shared>>) offsets(%dma_start3A_122 : memref<128xi32, #tpu.memory_space<vmem>>) semaphore(%arg20 : memref<!tpu.dma_semaphore, #tpu.memory_space<semaphore_mem>>) {add = true}
          %add3A_125 = arith.constant 2 : i32
          %add3A_126 = arith.addi %scan3A_90, %add3A_125 : i32
          %and3A_127 = arith.constant 3 : i32
          %and3A_128 = arith.andi %add3A_126, %and3A_127 : i32
          %lt3A_129 = arith.constant 46 : i32
          %lt3A_130 = arith.cmpi slt, %add3A_126, %lt3A_129 : i32
          %ge3A = arith.constant 2 : i32
          %ge3A_131 = arith.cmpi sge, %scan3A_90, %ge3A : i32
          %and3A_132 = arith.andi %lt3A_130, %ge3A_131 : i1
          %convert_element_type3A_133 = arith.extui %and3A_132 : i1 to i32
          %cond3A_134 = arith.constant 0 : i32
          %cond3A_135 = arith.cmpi ne, %convert_element_type3A_133, %cond3A_134 : i32
          scf.if %cond3A_135 {
            %sub3A = arith.constant 2 : i32
            %sub3A_144 = arith.subi %scan3A_90, %sub3A : i32
            %dma_wait3A_145 = arith.constant 0 : i32
            %dma_wait3A_146 = arith.constant 0 : i32
            %dma_wait3A_147 = tpu.memref_slice %arg13[%and3A_128, %dma_wait3A_145, %dma_wait3A_146] : memref<4x128x128xf32, #tpu.memory_space<vmem>> -> memref<1x128x128xf32, #tpu.memory_space<vmem>>
            %dma_wait3A_148 = tpu.memref_squeeze %dma_wait3A_147 : memref<1x128x128xf32, #tpu.memory_space<vmem>> -> memref<128x128xf32, #tpu.memory_space<vmem>>
            %dma_wait3A_149 = arith.constant 0 : i32
            %dma_wait3A_150 = tpu.memref_slice %arg12[%sub3A_144, %dma_wait3A_149] : memref<49x128xi32, #tpu.memory_space<vmem>> -> memref<1x128xi32, #tpu.memory_space<vmem>>
            %dma_wait3A_151 = tpu.memref_squeeze %dma_wait3A_150 : memref<1x128xi32, #tpu.memory_space<vmem>> -> memref<128xi32, #tpu.memory_space<vmem>>
            %dma_wait3A_152 = arith.constant 0 : i32
            %dma_wait3A_153 = arith.constant 0 : i32
            %dma_wait3A_154 = tpu.memref_slice %arg16[%dma_wait3A_152, %dma_wait3A_153] : memref<528x128xf32, #tpu.memory_space<vmem_shared>> -> memref<528x128xf32, #tpu.memory_space<vmem_shared>>
            %dma_wait3A_155 = tpu.memref_slice %arg19[%and3A_128] : memref<4x!tpu.dma_semaphore, #tpu.memory_space<semaphore_mem>> -> memref<1x!tpu.dma_semaphore, #tpu.memory_space<semaphore_mem>>
            %dma_wait3A_156 = tpu.memref_squeeze %dma_wait3A_155 : memref<1x!tpu.dma_semaphore, #tpu.memory_space<semaphore_mem>> -> memref<!tpu.dma_semaphore, #tpu.memory_space<semaphore_mem>>
            tpu.wait_indirect_dma semaphore(%dma_wait3A_156 : memref<!tpu.dma_semaphore, #tpu.memory_space<semaphore_mem>>) src(%dma_wait3A_148 : memref<128x128xf32, #tpu.memory_space<vmem>>) dst(%dma_wait3A_154 : memref<528x128xf32, #tpu.memory_space<vmem_shared>>)
            %sub3A_157 = arith.constant 2 : i32
            %sub3A_158 = arith.subi %scan3A_90, %sub3A_157 : i32
            %dma_wait3A_159 = arith.constant 0 : i32
            %dma_wait3A_160 = tpu.memref_slice %arg12[%sub3A_158, %dma_wait3A_159] : memref<49x128xi32, #tpu.memory_space<vmem>> -> memref<1x128xi32, #tpu.memory_space<vmem>>
            %dma_wait3A_161 = tpu.memref_squeeze %dma_wait3A_160 : memref<1x128xi32, #tpu.memory_space<vmem>> -> memref<128xi32, #tpu.memory_space<vmem>>
            %dma_wait3A_162 = arith.constant 0 : i32
            %dma_wait3A_163 = tpu.memref_slice %arg17[%dma_wait3A_162] : memref<528xf32, #tpu.memory_space<vmem_shared>> -> memref<528xf32, #tpu.memory_space<vmem_shared>>
            tpu.wait_indirect_dma semaphore(%arg20 : memref<!tpu.dma_semaphore, #tpu.memory_space<semaphore_mem>>) src(%arg14 : memref<128xf32, #tpu.memory_space<vmem>>) dst(%dma_wait3A_163 : memref<528xf32, #tpu.memory_space<vmem_shared>>)
            %mul3A_164 = arith.constant 128 : i32
            %mul3A_165 = arith.muli %add3A_126, %mul3A_164 : i32
            %add3A_166 = arith.addi %mul3A_21, %mul3A_165 : i32
            %dma_start3A_167 = arith.constant 0 : i32
            %dma_start3A_168 = arith.constant 0 : i32
            %dma_start3A_169 = tpu.memref_slice %arg13[%and3A_128, %dma_start3A_167, %dma_start3A_168] : memref<4x128x128xf32, #tpu.memory_space<vmem>> -> memref<1x128x128xf32, #tpu.memory_space<vmem>>
            %dma_start3A_170 = tpu.memref_squeeze %dma_start3A_169 : memref<1x128x128xf32, #tpu.memory_space<vmem>> -> memref<128x128xf32, #tpu.memory_space<vmem>>
            %dma_start3A_171 = arith.constant 0 : i32
            %dma_start3A_172 = tpu.memref_slice %arg4[%add3A_166, %dma_start3A_171] : memref<100000x128xf32, #tpu.memory_space<hbm>> -> memref<128x128xf32, #tpu.memory_space<hbm>>
            %dma_start3A_173 = tpu.memref_slice %arg18[%and3A_128] : memref<4x!tpu.dma_semaphore, #tpu.memory_space<semaphore_mem>> -> memref<1x!tpu.dma_semaphore, #tpu.memory_space<semaphore_mem>>
            %dma_start3A_174 = tpu.memref_squeeze %dma_start3A_173 : memref<1x!tpu.dma_semaphore, #tpu.memory_space<semaphore_mem>> -> memref<!tpu.dma_semaphore, #tpu.memory_space<semaphore_mem>>
            %dma_start3A_175 = arith.constant 0 : i32
            %dma_start3A_176 = arith.constant 0 : i32
            %dma_start3A_177 = tpu.memref_slice %arg13[%and3A_128, %dma_start3A_175, %dma_start3A_176] : memref<4x128x128xf32, #tpu.memory_space<vmem>> -> memref<1x128x128xf32, #tpu.memory_space<vmem>>
            %dma_start3A_178 = tpu.memref_squeeze %dma_start3A_177 : memref<1x128x128xf32, #tpu.memory_space<vmem>> -> memref<128x128xf32, #tpu.memory_space<vmem>>
            %dma_start3A_179 = arith.constant 0 : i32
            %dma_start3A_180 = tpu.memref_slice %arg4[%add3A_166, %dma_start3A_179] : memref<100000x128xf32, #tpu.memory_space<hbm>> -> memref<128x128xf32, #tpu.memory_space<hbm>>
            tpu.enqueue_dma source(%dma_start3A_180 : memref<128x128xf32, #tpu.memory_space<hbm>>) target(%dma_start3A_178 : memref<128x128xf32, #tpu.memory_space<vmem>>) target_semaphore(%dma_start3A_174 : memref<!tpu.dma_semaphore, #tpu.memory_space<semaphore_mem>>)
          } else {
          }
          %lt3A_136 = arith.constant 46 : i32
          %lt3A_137 = arith.cmpi slt, %add3A_126, %lt3A_136 : i32
          %lt3A_138 = arith.constant 2 : i32
          %lt3A_139 = arith.cmpi slt, %scan3A_90, %lt3A_138 : i32
          %and3A_140 = arith.andi %lt3A_137, %lt3A_139 : i1
          %convert_element_type3A_141 = arith.extui %and3A_140 : i1 to i32
          %cond3A_142 = arith.constant 0 : i32
          %cond3A_143 = arith.cmpi ne, %convert_element_type3A_141, %cond3A_142 : i32
          scf.if %cond3A_143 {
            %mul3A_144 = arith.constant 128 : i32
            %mul3A_145 = arith.muli %add3A_126, %mul3A_144 : i32
            %add3A_146 = arith.addi %mul3A_21, %mul3A_145 : i32
            %dma_start3A_147 = arith.constant 0 : i32
            %dma_start3A_148 = arith.constant 0 : i32
            %dma_start3A_149 = tpu.memref_slice %arg13[%and3A_128, %dma_start3A_147, %dma_start3A_148] : memref<4x128x128xf32, #tpu.memory_space<vmem>> -> memref<1x128x128xf32, #tpu.memory_space<vmem>>
            %dma_start3A_150 = tpu.memref_squeeze %dma_start3A_149 : memref<1x128x128xf32, #tpu.memory_space<vmem>> -> memref<128x128xf32, #tpu.memory_space<vmem>>
            %dma_start3A_151 = arith.constant 0 : i32
            %dma_start3A_152 = tpu.memref_slice %arg4[%add3A_146, %dma_start3A_151] : memref<100000x128xf32, #tpu.memory_space<hbm>> -> memref<128x128xf32, #tpu.memory_space<hbm>>
            %dma_start3A_153 = tpu.memref_slice %arg18[%and3A_128] : memref<4x!tpu.dma_semaphore, #tpu.memory_space<semaphore_mem>> -> memref<1x!tpu.dma_semaphore, #tpu.memory_space<semaphore_mem>>
            %dma_start3A_154 = tpu.memref_squeeze %dma_start3A_153 : memref<1x!tpu.dma_semaphore, #tpu.memory_space<semaphore_mem>> -> memref<!tpu.dma_semaphore, #tpu.memory_space<semaphore_mem>>
            %dma_start3A_155 = arith.constant 0 : i32
            %dma_start3A_156 = arith.constant 0 : i32
            %dma_start3A_157 = tpu.memref_slice %arg13[%and3A_128, %dma_start3A_155, %dma_start3A_156] : memref<4x128x128xf32, #tpu.memory_space<vmem>> -> memref<1x128x128xf32, #tpu.memory_space<vmem>>
            %dma_start3A_158 = tpu.memref_squeeze %dma_start3A_157 : memref<1x128x128xf32, #tpu.memory_space<vmem>> -> memref<128x128xf32, #tpu.memory_space<vmem>>
            %dma_start3A_159 = arith.constant 0 : i32
            %dma_start3A_160 = tpu.memref_slice %arg4[%add3A_146, %dma_start3A_159] : memref<100000x128xf32, #tpu.memory_space<hbm>> -> memref<128x128xf32, #tpu.memory_space<hbm>>
            tpu.enqueue_dma source(%dma_start3A_160 : memref<128x128xf32, #tpu.memory_space<hbm>>) target(%dma_start3A_158 : memref<128x128xf32, #tpu.memory_space<vmem>>) target_semaphore(%dma_start3A_154 : memref<!tpu.dma_semaphore, #tpu.memory_space<semaphore_mem>>)
          } else {
          }
        }
        %scan3A_78 = arith.constant 46 : i32
        %scan3A_79 = arith.constant 0 : i32
        %scan3A_80 = arith.constant 42 : i32
        %scan3A_81 = arith.constant 4 : i32
        %scan3A_82 = arith.addi %scan3A_80, %scan3A_81 : i32
        %scan3A_83 = arith.constant 1 : i32
        scf.for %scan3A_90 = %scan3A_80 to %scan3A_82 step %scan3A_83  : i32 {
          %and3A = arith.constant 3 : i32
          %and3A_91 = arith.andi %scan3A_90, %and3A : i32
          %dma_wait3A = arith.constant 0 : i32
          %dma_wait3A_92 = arith.constant 0 : i32
          %dma_wait3A_93 = tpu.memref_slice %arg13[%and3A_91, %dma_wait3A, %dma_wait3A_92] : memref<4x128x128xf32, #tpu.memory_space<vmem>> -> memref<1x128x128xf32, #tpu.memory_space<vmem>>
          %dma_wait3A_94 = tpu.memref_squeeze %dma_wait3A_93 : memref<1x128x128xf32, #tpu.memory_space<vmem>> -> memref<128x128xf32, #tpu.memory_space<vmem>>
          %dma_wait3A_95 = arith.constant 0 : i32
          %dma_wait3A_96 = tpu.memref_slice %arg12[%scan3A_90, %dma_wait3A_95] : memref<49x128xi32, #tpu.memory_space<vmem>> -> memref<1x128xi32, #tpu.memory_space<vmem>>
          %dma_wait3A_97 = tpu.memref_squeeze %dma_wait3A_96 : memref<1x128xi32, #tpu.memory_space<vmem>> -> memref<128xi32, #tpu.memory_space<vmem>>
          %dma_wait3A_98 = arith.constant 0 : i32
          %dma_wait3A_99 = arith.constant 0 : i32
          %dma_wait3A_100 = tpu.memref_slice %arg16[%dma_wait3A_98, %dma_wait3A_99] : memref<528x128xf32, #tpu.memory_space<vmem_shared>> -> memref<528x128xf32, #tpu.memory_space<vmem_shared>>
          %dma_wait3A_101 = tpu.memref_slice %arg19[%and3A_91] : memref<4x!tpu.dma_semaphore, #tpu.memory_space<semaphore_mem>> -> memref<1x!tpu.dma_semaphore, #tpu.memory_space<semaphore_mem>>
          %dma_wait3A_102 = tpu.memref_squeeze %dma_wait3A_101 : memref<1x!tpu.dma_semaphore, #tpu.memory_space<semaphore_mem>> -> memref<!tpu.dma_semaphore, #tpu.memory_space<semaphore_mem>>
          tpu.wait_indirect_dma semaphore(%dma_wait3A_102 : memref<!tpu.dma_semaphore, #tpu.memory_space<semaphore_mem>>) src(%dma_wait3A_94 : memref<128x128xf32, #tpu.memory_space<vmem>>) dst(%dma_wait3A_100 : memref<528x128xf32, #tpu.memory_space<vmem_shared>>)
          %dma_wait3A_103 = arith.constant 0 : i32
          %dma_wait3A_104 = tpu.memref_slice %arg12[%scan3A_90, %dma_wait3A_103] : memref<49x128xi32, #tpu.memory_space<vmem>> -> memref<1x128xi32, #tpu.memory_space<vmem>>
          %dma_wait3A_105 = tpu.memref_squeeze %dma_wait3A_104 : memref<1x128xi32, #tpu.memory_space<vmem>> -> memref<128xi32, #tpu.memory_space<vmem>>
          %dma_wait3A_106 = arith.constant 0 : i32
          %dma_wait3A_107 = tpu.memref_slice %arg17[%dma_wait3A_106] : memref<528xf32, #tpu.memory_space<vmem_shared>> -> memref<528xf32, #tpu.memory_space<vmem_shared>>
          tpu.wait_indirect_dma semaphore(%arg20 : memref<!tpu.dma_semaphore, #tpu.memory_space<semaphore_mem>>) src(%arg14 : memref<128xf32, #tpu.memory_space<vmem>>) dst(%dma_wait3A_107 : memref<528xf32, #tpu.memory_space<vmem_shared>>)
        }
        %scan3A_84 = arith.constant 4 : i32
        %add3A_85 = arith.constant 5888 : i32
        %add3A_86 = arith.addi %mul3A_21, %add3A_85 : i32
        %run_scoped3A = arith.constant 0 : i32
        "tpu.region"() ({
          %run_scoped3A_90 = tpu.sem_alloc : memref<!tpu.dma_semaphore, #tpu.memory_space<semaphore_mem>>
          %dma_start3A_91 = arith.constant 0 : i32
          %dma_start3A_92 = arith.constant 0 : i32
          %dma_start3A_93 = tpu.memref_slice %arg13[%run_scoped3A, %dma_start3A_91, %dma_start3A_92] : memref<4x128x128xf32, #tpu.memory_space<vmem>> -> memref<1x32x128xf32, #tpu.memory_space<vmem>>
          %dma_start3A_94 = tpu.memref_squeeze %dma_start3A_93 : memref<1x32x128xf32, #tpu.memory_space<vmem>> -> memref<32x128xf32, #tpu.memory_space<vmem>>
          %dma_start3A_95 = arith.constant 0 : i32
          %dma_start3A_96 = tpu.memref_slice %arg4[%add3A_86, %dma_start3A_95] : memref<100000x128xf32, #tpu.memory_space<hbm>> -> memref<32x128xf32, #tpu.memory_space<hbm>>
          %dma_start3A_97 = arith.constant 0 : i32
          %dma_start3A_98 = arith.constant 0 : i32
          %dma_start3A_99 = tpu.memref_slice %arg13[%run_scoped3A, %dma_start3A_97, %dma_start3A_98] : memref<4x128x128xf32, #tpu.memory_space<vmem>> -> memref<1x32x128xf32, #tpu.memory_space<vmem>>
          %dma_start3A_100 = tpu.memref_squeeze %dma_start3A_99 : memref<1x32x128xf32, #tpu.memory_space<vmem>> -> memref<32x128xf32, #tpu.memory_space<vmem>>
          %dma_start3A_101 = arith.constant 0 : i32
          %dma_start3A_102 = tpu.memref_slice %arg4[%add3A_86, %dma_start3A_101] : memref<100000x128xf32, #tpu.memory_space<hbm>> -> memref<32x128xf32, #tpu.memory_space<hbm>>
          tpu.enqueue_dma source(%dma_start3A_102 : memref<32x128xf32, #tpu.memory_space<hbm>>) target(%dma_start3A_100 : memref<32x128xf32, #tpu.memory_space<vmem>>) target_semaphore(%run_scoped3A_90 : memref<!tpu.dma_semaphore, #tpu.memory_space<semaphore_mem>>)
          %dma_wait3A = arith.constant 0 : i32
          %dma_wait3A_103 = arith.constant 0 : i32
          %dma_wait3A_104 = tpu.memref_slice %arg13[%run_scoped3A, %dma_wait3A, %dma_wait3A_103] : memref<4x128x128xf32, #tpu.memory_space<vmem>> -> memref<1x32x128xf32, #tpu.memory_space<vmem>>
          %dma_wait3A_105 = tpu.memref_squeeze %dma_wait3A_104 : memref<1x32x128xf32, #tpu.memory_space<vmem>> -> memref<32x128xf32, #tpu.memory_space<vmem>>
          %dma_wait3A_106 = arith.constant 0 : i32
          %dma_wait3A_107 = tpu.memref_slice %arg4[%add3A_86, %dma_wait3A_106] : memref<100000x128xf32, #tpu.memory_space<hbm>> -> memref<32x128xf32, #tpu.memory_space<hbm>>
          %dma_wait3A_108 = arith.constant 0 : i32
          %dma_wait3A_109 = arith.constant 0 : i32
          %dma_wait3A_110 = tpu.memref_slice %arg13[%run_scoped3A, %dma_wait3A_108, %dma_wait3A_109] : memref<4x128x128xf32, #tpu.memory_space<vmem>> -> memref<1x32x128xf32, #tpu.memory_space<vmem>>
          %dma_wait3A_111 = tpu.memref_squeeze %dma_wait3A_110 : memref<1x32x128xf32, #tpu.memory_space<vmem>> -> memref<32x128xf32, #tpu.memory_space<vmem>>
          %dma_wait3A_112 = arith.constant 0 : i32
          %dma_wait3A_113 = tpu.memref_slice %arg4[%add3A_86, %dma_wait3A_112] : memref<100000x128xf32, #tpu.memory_space<hbm>> -> memref<32x128xf32, #tpu.memory_space<hbm>>
          tpu.wait_dma2 semaphore(%run_scoped3A_90 : memref<!tpu.dma_semaphore, #tpu.memory_space<semaphore_mem>>) src(%dma_wait3A_113 : memref<32x128xf32, #tpu.memory_space<hbm>>) dst(%dma_wait3A_111 : memref<32x128xf32, #tpu.memory_space<vmem>>)
          tpu.yield
        }) : () -> ()
        %run_scoped3A_87 = arith.constant 0 : i32
        %run_scoped3A_88 = arith.constant 46 : i32
        "tpu.region"() ({
          %run_scoped3A_90 = tpu.sem_alloc : memref<!tpu.dma_semaphore, #tpu.memory_space<semaphore_mem>>
          %dma_start3A_91 = arith.constant 0 : i32
          %dma_start3A_92 = arith.constant 0 : i32
          %dma_start3A_93 = tpu.memref_slice %arg13[%run_scoped3A_87, %dma_start3A_91, %dma_start3A_92] : memref<4x128x128xf32, #tpu.memory_space<vmem>> -> memref<1x128x128xf32, #tpu.memory_space<vmem>>
          %dma_start3A_94 = tpu.memref_squeeze %dma_start3A_93 : memref<1x128x128xf32, #tpu.memory_space<vmem>> -> memref<128x128xf32, #tpu.memory_space<vmem>>
          %dma_start3A_95 = arith.constant 0 : i32
          %dma_start3A_96 = tpu.memref_slice %arg12[%run_scoped3A_88, %dma_start3A_95] : memref<49x128xi32, #tpu.memory_space<vmem>> -> memref<1x128xi32, #tpu.memory_space<vmem>>
          %dma_start3A_97 = tpu.memref_squeeze %dma_start3A_96 : memref<1x128xi32, #tpu.memory_space<vmem>> -> memref<128xi32, #tpu.memory_space<vmem>>
          %dma_start3A_98 = arith.constant 0 : i32
          %dma_start3A_99 = arith.constant 0 : i32
          %dma_start3A_100 = tpu.memref_slice %arg16[%dma_start3A_98, %dma_start3A_99] : memref<528x128xf32, #tpu.memory_space<vmem_shared>> -> memref<528x128xf32, #tpu.memory_space<vmem_shared>>
          tpu.enqueue_indirect_dma source(%dma_start3A_94 : memref<128x128xf32, #tpu.memory_space<vmem>>) target(%dma_start3A_100 : memref<528x128xf32, #tpu.memory_space<vmem_shared>>) offsets(%dma_start3A_97 : memref<128xi32, #tpu.memory_space<vmem>>) semaphore(%run_scoped3A_90 : memref<!tpu.dma_semaphore, #tpu.memory_space<semaphore_mem>>) {add = true}
          %dma_wait3A = arith.constant 0 : i32
          %dma_wait3A_101 = arith.constant 0 : i32
          %dma_wait3A_102 = tpu.memref_slice %arg13[%run_scoped3A_87, %dma_wait3A, %dma_wait3A_101] : memref<4x128x128xf32, #tpu.memory_space<vmem>> -> memref<1x128x128xf32, #tpu.memory_space<vmem>>
          %dma_wait3A_103 = tpu.memref_squeeze %dma_wait3A_102 : memref<1x128x128xf32, #tpu.memory_space<vmem>> -> memref<128x128xf32, #tpu.memory_space<vmem>>
          %dma_wait3A_104 = arith.constant 0 : i32
          %dma_wait3A_105 = tpu.memref_slice %arg12[%run_scoped3A_88, %dma_wait3A_104] : memref<49x128xi32, #tpu.memory_space<vmem>> -> memref<1x128xi32, #tpu.memory_space<vmem>>
          %dma_wait3A_106 = tpu.memref_squeeze %dma_wait3A_105 : memref<1x128xi32, #tpu.memory_space<vmem>> -> memref<128xi32, #tpu.memory_space<vmem>>
          %dma_wait3A_107 = arith.constant 0 : i32
          %dma_wait3A_108 = arith.constant 0 : i32
          %dma_wait3A_109 = tpu.memref_slice %arg16[%dma_wait3A_107, %dma_wait3A_108] : memref<528x128xf32, #tpu.memory_space<vmem_shared>> -> memref<528x128xf32, #tpu.memory_space<vmem_shared>>
          tpu.wait_indirect_dma semaphore(%run_scoped3A_90 : memref<!tpu.dma_semaphore, #tpu.memory_space<semaphore_mem>>) src(%dma_wait3A_103 : memref<128x128xf32, #tpu.memory_space<vmem>>) dst(%dma_wait3A_109 : memref<528x128xf32, #tpu.memory_space<vmem_shared>>)
          tpu.yield
        }) : () -> ()
        %run_scoped3A_89 = arith.constant 46 : i32
        "tpu.region"() ({
          %run_scoped3A_90 = tpu.sem_alloc : memref<!tpu.dma_semaphore, #tpu.memory_space<semaphore_mem>>
          %dma_start3A_91 = arith.constant 0 : i32
          %dma_start3A_92 = tpu.memref_slice %arg12[%run_scoped3A_89, %dma_start3A_91] : memref<49x128xi32, #tpu.memory_space<vmem>> -> memref<1x128xi32, #tpu.memory_space<vmem>>
          %dma_start3A_93 = tpu.memref_squeeze %dma_start3A_92 : memref<1x128xi32, #tpu.memory_space<vmem>> -> memref<128xi32, #tpu.memory_space<vmem>>
          %dma_start3A_94 = arith.constant 0 : i32
          %dma_start3A_95 = tpu.memref_slice %arg17[%dma_start3A_94] : memref<528xf32, #tpu.memory_space<vmem_shared>> -> memref<528xf32, #tpu.memory_space<vmem_shared>>
          tpu.enqueue_indirect_dma source(%arg14 : memref<128xf32, #tpu.memory_space<vmem>>) target(%dma_start3A_95 : memref<528xf32, #tpu.memory_space<vmem_shared>>) offsets(%dma_start3A_93 : memref<128xi32, #tpu.memory_space<vmem>>) semaphore(%run_scoped3A_90 : memref<!tpu.dma_semaphore, #tpu.memory_space<semaphore_mem>>) {add = true}
          %dma_wait3A = arith.constant 0 : i32
          %dma_wait3A_96 = tpu.memref_slice %arg12[%run_scoped3A_89, %dma_wait3A] : memref<49x128xi32, #tpu.memory_space<vmem>> -> memref<1x128xi32, #tpu.memory_space<vmem>>
          %dma_wait3A_97 = tpu.memref_squeeze %dma_wait3A_96 : memref<1x128xi32, #tpu.memory_space<vmem>> -> memref<128xi32, #tpu.memory_space<vmem>>
          %dma_wait3A_98 = arith.constant 0 : i32
          %dma_wait3A_99 = tpu.memref_slice %arg17[%dma_wait3A_98] : memref<528xf32, #tpu.memory_space<vmem_shared>> -> memref<528xf32, #tpu.memory_space<vmem_shared>>
          tpu.wait_indirect_dma semaphore(%run_scoped3A_90 : memref<!tpu.dma_semaphore, #tpu.memory_space<semaphore_mem>>) src(%arg14 : memref<128xf32, #tpu.memory_space<vmem>>) dst(%dma_wait3A_99 : memref<528xf32, #tpu.memory_space<vmem_shared>>)
          tpu.yield
        }) : () -> ()
      } else {
      }
      %barrier3A_65 = arith.constant 0 : index
      tpu.barrier barrier_id(%barrier3A_65)
      %mul3A_66 = arith.constant 32 : i32
      %mul3A_67 = arith.muli %arg1, %mul3A_66 : i32
      %mul3A_68 = arith.constant 32 : i32
      %mul3A_69 = arith.muli %arg1, %mul3A_68 : i32
      "tpu.region"() ({
        %run_scoped3A = tpu.sem_alloc : memref<!tpu.dma_semaphore, #tpu.memory_space<semaphore_mem>>
        %dma_start3A_74 = arith.constant 0 : i32
        %dma_start3A_75 = tpu.memref_slice %arg10[%mul3A_69, %dma_start3A_74] : memref<512x128xf32, #tpu.memory_space<hbm>> -> memref<32x128xf32, #tpu.memory_space<hbm>>
        %dma_start3A_76 = arith.constant 0 : i32
        %dma_start3A_77 = tpu.memref_slice %arg16[%mul3A_67, %dma_start3A_76] : memref<528x128xf32, #tpu.memory_space<vmem_shared>> -> memref<32x128xf32, #tpu.memory_space<vmem_shared>>
        tpu.enqueue_dma source(%dma_start3A_77 : memref<32x128xf32, #tpu.memory_space<vmem_shared>>) target(%dma_start3A_75 : memref<32x128xf32, #tpu.memory_space<hbm>>) target_semaphore(%run_scoped3A : memref<!tpu.dma_semaphore, #tpu.memory_space<semaphore_mem>>)
        %dma_wait3A = arith.constant 0 : i32
        %dma_wait3A_78 = tpu.memref_slice %arg10[%mul3A_69, %dma_wait3A] : memref<512x128xf32, #tpu.memory_space<hbm>> -> memref<32x128xf32, #tpu.memory_space<hbm>>
        %dma_wait3A_79 = arith.constant 0 : i32
        %dma_wait3A_80 = tpu.memref_slice %arg16[%mul3A_67, %dma_wait3A_79] : memref<528x128xf32, #tpu.memory_space<vmem_shared>> -> memref<32x128xf32, #tpu.memory_space<vmem_shared>>
        tpu.wait_dma2 semaphore(%run_scoped3A : memref<!tpu.dma_semaphore, #tpu.memory_space<semaphore_mem>>) src(%dma_wait3A_80 : memref<32x128xf32, #tpu.memory_space<vmem_shared>>) dst(%dma_wait3A_78 : memref<32x128xf32, #tpu.memory_space<hbm>>)
        tpu.yield
      }) : () -> ()
      %mul3A_70 = arith.constant 32 : i32
      %mul3A_71 = arith.muli %arg1, %mul3A_70 : i32
      "tpu.region"() ({
        %run_scoped3A = tpu.sem_alloc : memref<!tpu.dma_semaphore, #tpu.memory_space<semaphore_mem>>
        %dma_start3A_74 = tpu.memref_slice %arg17[%mul3A_71] : memref<528xf32, #tpu.memory_space<vmem_shared>> -> memref<32xf32, #tpu.memory_space<vmem_shared>>
        %dma_start3A_75 = tpu.memref_slice %arg17[%mul3A_71] : memref<528xf32, #tpu.memory_space<vmem_shared>> -> memref<32xf32, #tpu.memory_space<vmem_shared>>
        tpu.enqueue_dma source(%dma_start3A_75 : memref<32xf32, #tpu.memory_space<vmem_shared>>) target(%arg15 : memref<32xf32, #tpu.memory_space<vmem>>) target_semaphore(%run_scoped3A : memref<!tpu.dma_semaphore, #tpu.memory_space<semaphore_mem>>)
        %dma_wait3A = tpu.memref_slice %arg17[%mul3A_71] : memref<528xf32, #tpu.memory_space<vmem_shared>> -> memref<32xf32, #tpu.memory_space<vmem_shared>>
        %dma_wait3A_76 = tpu.memref_slice %arg17[%mul3A_71] : memref<528xf32, #tpu.memory_space<vmem_shared>> -> memref<32xf32, #tpu.memory_space<vmem_shared>>
        tpu.wait_dma2 semaphore(%run_scoped3A : memref<!tpu.dma_semaphore, #tpu.memory_space<semaphore_mem>>) src(%dma_wait3A_76 : memref<32xf32, #tpu.memory_space<vmem_shared>>) dst(%arg15 : memref<32xf32, #tpu.memory_space<vmem>>)
        tpu.yield
      }) : () -> ()
      %mul3A_72 = arith.constant 32 : i32
      %mul3A_73 = arith.muli %arg1, %mul3A_72 : i32
      "tpu.region"() ({
        %run_scoped3A = tpu.sem_alloc : memref<!tpu.dma_semaphore, #tpu.memory_space<semaphore_mem>>
        %dma_start3A_74 = tpu.memref_slice %arg11[%mul3A_73] : memref<512xf32, #tpu.memory_space<hbm>> -> memref<32xf32, #tpu.memory_space<hbm>>
        %dma_start3A_75 = tpu.memref_slice %arg11[%mul3A_73] : memref<512xf32, #tpu.memory_space<hbm>> -> memref<32xf32, #tpu.memory_space<hbm>>
        tpu.enqueue_dma source(%arg15 : memref<32xf32, #tpu.memory_space<vmem>>) target(%dma_start3A_75 : memref<32xf32, #tpu.memory_space<hbm>>) target_semaphore(%run_scoped3A : memref<!tpu.dma_semaphore, #tpu.memory_space<semaphore_mem>>)
        %dma_wait3A = tpu.memref_slice %arg11[%mul3A_73] : memref<512xf32, #tpu.memory_space<hbm>> -> memref<32xf32, #tpu.memory_space<hbm>>
        %dma_wait3A_76 = tpu.memref_slice %arg11[%mul3A_73] : memref<512xf32, #tpu.memory_space<hbm>> -> memref<32xf32, #tpu.memory_space<hbm>>
        tpu.wait_dma2 semaphore(%run_scoped3A : memref<!tpu.dma_semaphore, #tpu.memory_space<semaphore_mem>>) src(%arg15 : memref<32xf32, #tpu.memory_space<vmem>>) dst(%dma_wait3A_76 : memref<32xf32, #tpu.memory_space<hbm>>)
        tpu.yield
      }) : () -> ()
    } else {
    }
    return
  }
}

module attributes {stable_mosaic.version = 14 : i64} {
  func.func @body(%arg0: memref<512x128xf32, #tpu.memory_space<vmem>>, %arg1: memref<512x1xf32, #tpu.memory_space<vmem>>, %arg2: memref<512x128xf32, #tpu.memory_space<vmem>>, %arg3: memref<512x1xf32, #tpu.memory_space<vmem>>, %arg4: memref<512x128xf32, #tpu.memory_space<vmem>>, %arg5: memref<384x128xf32, #tpu.memory_space<vmem>>, %arg6: memref<1x128xf32, #tpu.memory_space<vmem>>, %arg7: memref<128x128xf32, #tpu.memory_space<vmem>>, %arg8: memref<1x128xf32, #tpu.memory_space<vmem>>, %arg9: memref<512x128xf32, #tpu.memory_space<vmem>>) attributes {dimension_semantics = [], scalar_prefetch = 0 : i64, scratch_operands = 0 : i64, tpu.core_type = #tpu.core_type<tc>} {
    %get3A = arith.constant 0 : index
    %get3A_0 = arith.constant 0 : index
    %get3A_1 = vector.load %arg1[%get3A, %get3A_0] : memref<512x1xf32, #tpu.memory_space<vmem>>, vector<512x1xf32>
    %max3A = arith.constant 1.000000e+00 : f32
    %max3A_2 = vector.broadcast %max3A : f32 to vector<512x1xf32>
    %max3A_3 = arith.maximumf %get3A_1, %max3A_2 : vector<512x1xf32>
    %get3A_4 = arith.constant 0 : index
    %get3A_5 = arith.constant 0 : index
    %get3A_6 = vector.load %arg3[%get3A_4, %get3A_5] : memref<512x1xf32, #tpu.memory_space<vmem>>, vector<512x1xf32>
    %max3A_7 = arith.constant 1.000000e+00 : f32
    %max3A_8 = vector.broadcast %max3A_7 : f32 to vector<512x1xf32>
    %max3A_9 = arith.maximumf %get3A_6, %max3A_8 : vector<512x1xf32>
    %get3A_10 = arith.constant 0 : index
    %get3A_11 = arith.constant 0 : index
    %get3A_12 = vector.load %arg0[%get3A_10, %get3A_11] : memref<512x128xf32, #tpu.memory_space<vmem>>, vector<512x128xf32>
    %div3A = vector.broadcast %max3A_3 : vector<512x1xf32> to vector<512x128xf32>
    %div3A_13 = arith.divf %get3A_12, %div3A : vector<512x128xf32>
    %get3A_14 = arith.constant 0 : index
    %get3A_15 = arith.constant 0 : index
    %get3A_16 = vector.load %arg2[%get3A_14, %get3A_15] : memref<512x128xf32, #tpu.memory_space<vmem>>, vector<512x128xf32>
    %div3A_17 = vector.broadcast %max3A_9 : vector<512x1xf32> to vector<512x128xf32>
    %div3A_18 = arith.divf %get3A_16, %div3A_17 : vector<512x128xf32>
    %get3A_19 = arith.constant 0 : index
    %get3A_20 = arith.constant 0 : index
    %get3A_21 = vector.load %arg4[%get3A_19, %get3A_20] : memref<512x128xf32, #tpu.memory_space<vmem>>, vector<512x128xf32>
    %get3A_22 = arith.constant 0 : index
    %get3A_23 = arith.constant 0 : index
    %get3A_24 = vector.load %arg5[%get3A_22, %get3A_23] : memref<384x128xf32, #tpu.memory_space<vmem>>, vector<128x128xf32>
    %dot_general3A = arith.constant dense<0.000000e+00> : vector<512x128xf32>
    %dot_general3A_25 = tpu.matmul %get3A_21, %get3A_24, %dot_general3A {dimension_numbers = #tpu.dot_dimension_numbers<[1], [0], [0], [1], [0, 0, 1, 1], [], []>, transpose_lhs_hint = false} : vector<512x128xf32>, vector<128x128xf32>, vector<512x128xf32> -> vector<512x128xf32>
    %get3A_26 = arith.constant 128 : index
    %get3A_27 = arith.constant 0 : index
    %get3A_28 = vector.load %arg5[%get3A_26, %get3A_27] : memref<384x128xf32, #tpu.memory_space<vmem>>, vector<128x128xf32>
    %dot_general3A_29 = arith.constant dense<0.000000e+00> : vector<512x128xf32>
    %dot_general3A_30 = tpu.matmul %div3A_13, %get3A_28, %dot_general3A_29 {dimension_numbers = #tpu.dot_dimension_numbers<[1], [0], [0], [1], [0, 0, 1, 1], [], []>, transpose_lhs_hint = false} : vector<512x128xf32>, vector<128x128xf32>, vector<512x128xf32> -> vector<512x128xf32>
    %add3A = arith.addf %dot_general3A_25, %dot_general3A_30 : vector<512x128xf32>
    %get3A_31 = arith.constant 256 : index
    %get3A_32 = arith.constant 0 : index
    %get3A_33 = vector.load %arg5[%get3A_31, %get3A_32] : memref<384x128xf32, #tpu.memory_space<vmem>>, vector<128x128xf32>
    %dot_general3A_34 = arith.constant dense<0.000000e+00> : vector<512x128xf32>
    %dot_general3A_35 = tpu.matmul %div3A_18, %get3A_33, %dot_general3A_34 {dimension_numbers = #tpu.dot_dimension_numbers<[1], [0], [0], [1], [0, 0, 1, 1], [], []>, transpose_lhs_hint = false} : vector<512x128xf32>, vector<128x128xf32>, vector<512x128xf32> -> vector<512x128xf32>
    %add3A_36 = arith.addf %add3A, %dot_general3A_35 : vector<512x128xf32>
    %get3A_37 = arith.constant 0 : index
    %get3A_38 = arith.constant 0 : index
    %get3A_39 = vector.load %arg6[%get3A_37, %get3A_38] : memref<1x128xf32, #tpu.memory_space<vmem>>, vector<1x128xf32>
    %add3A_40 = vector.broadcast %get3A_39 : vector<1x128xf32> to vector<512x128xf32>
    %add3A_41 = arith.addf %add3A_36, %add3A_40 : vector<512x128xf32>
    %ge3A = arith.constant 0.000000e+00 : f32
    %ge3A_42 = vector.broadcast %ge3A : f32 to vector<512x128xf32>
    %ge3A_43 = arith.cmpf oge, %add3A_41, %ge3A_42 : vector<512x128xf32>
    %mul3A = arith.constant 1.000000e-01 : f32
    %mul3A_44 = vector.broadcast %mul3A : f32 to vector<512x128xf32>
    %mul3A_45 = arith.mulf %mul3A_44, %add3A_41 : vector<512x128xf32>
    %select_n3A = arith.select %ge3A_43, %add3A_41, %mul3A_45 : vector<512x128xi1>, vector<512x128xf32>
    %get3A_46 = arith.constant 0 : index
    %get3A_47 = arith.constant 0 : index
    %get3A_48 = vector.load %arg7[%get3A_46, %get3A_47] : memref<128x128xf32, #tpu.memory_space<vmem>>, vector<128x128xf32>
    %dot_general3A_49 = arith.constant dense<0.000000e+00> : vector<512x128xf32>
    %dot_general3A_50 = tpu.matmul %select_n3A, %get3A_48, %dot_general3A_49 {dimension_numbers = #tpu.dot_dimension_numbers<[1], [0], [0], [1], [0, 0, 1, 1], [], []>, transpose_lhs_hint = false} : vector<512x128xf32>, vector<128x128xf32>, vector<512x128xf32> -> vector<512x128xf32>
    %get3A_51 = arith.constant 0 : index
    %get3A_52 = arith.constant 0 : index
    %get3A_53 = vector.load %arg8[%get3A_51, %get3A_52] : memref<1x128xf32, #tpu.memory_space<vmem>>, vector<1x128xf32>
    %add3A_54 = vector.broadcast %get3A_53 : vector<1x128xf32> to vector<512x128xf32>
    %add3A_55 = arith.addf %dot_general3A_50, %add3A_54 : vector<512x128xf32>
    %swap3A = arith.constant 0 : index
    %swap3A_56 = arith.constant 0 : index
    %swap3A_57 = vector.load %arg9[%swap3A, %swap3A_56] : memref<512x128xf32, #tpu.memory_space<vmem>>, vector<512x128xf32>
    tpu.vector_store %arg9[%swap3A, %swap3A_56], %add3A_55 {strides = array<i32>} : memref<512x128xf32, #tpu.memory_space<vmem>>, vector<512x128xf32>,
    return
  }
}

</mosaic_0001>

<sc_bundles>
// kernel: kernel.4.cloned.1.call-start
scs
__scs_entry_jumppad:
0x0: {  	(pc) =	sbr.rel $0x88, $3  }
0x1: {  	(tag) =	ssettag $0x0;
	lr =	simm.s32 $0x1  }
0x2: {  	[smem:$0x3F98] =	sst lr;
	_ =	strace $0xD0000000  }
0x3: {  	_ = 	snop  }
0x4: {  	_ = 	snop  }
0x5: {  	_ = 	snop  }
0x6: {  	_ = 	snop  }
0x7: {  	_ = 	snop  }
__scs_overlays_trampoline_lowered:
0x8: {  	[smem:$0x3FA7] =	sst s0  }
0x9: {  	[smem:$0x3FA8] =	sst s1  }
0xa: {  	[smem:$0x3FA9] =	sst s2  }
0xb: {  	[smem:$0x3FAA] =	sst s3  }
0xc: {  	[smem:$0x3FAB] =	sst s4  }
0xd: {  	[smem:$0x3FAC] =	sst s5  }
0xe: {  	[smem:$0x3FAD] =	sst s6  }
0xf: {  	[smem:$0x3FAE] =	sst s7  }
0x10: {  	[smem:$0x3FAF] =	sst s8  }
0x11: {  	[smem:$0x3FB0] =	sst s9;
	s0 =	simm.s32 @!p0 $0x0  }
0x12: {  	s1 =	sld [smem:$0x3F96];
	s0 =	simm.s32 @p0 $0x1  }
0x13: {  	[smem:$0x3FB1] =	sst s0;
	s0 =	simm.s32 @!p1 $0x0  }
0x14: {  	s2 =	sld [smem:$0x3F95];
	s0 =	simm.s32 @p1 $0x1  }
0x15: {  	[smem:$0x3FB2] =	sst s0;
	s0 =	simm.s32 @!p2 $0x0  }
0x16: {  	s3 =	sld [smem:$0x3FDB];
	s0 =	simm.s32 @p2 $0x1  }
0x17: {  	s4 =	simm.s32 $0x1BF5;
	[smem:$0x3FB4] =	sst s0  }
0x18: {  	s0 =	sld [smem:$0x3F97];
	_ =	swait.ge [sflag:s4], $0x0  }
0x19: {  	s7 =	sld [smem:$0x3F98]  }
0x1a: {  	s8 =	sadd.s32 $0xFFFFE003, lr  }
0x1b: {  	s9 =	sadd.s32 $0xFFFFFEF7, lr;
	s5 =	simm.s32 $0xFFFFFFFF;
	p2 =	slt.u32 s8, $0xFFFFF086  }
0x1c: {  	p1 =	slt.u32 s9, $0xF7A;
	s5 =	simm.s32 @!p2 $0x0  }
0x1d: {  	s5 =	simm.s32 @p1 $0x1;
	p0 =	seq.s32 s7, s2  }
0x1e: {  	s7 =	smul.u32 @!p0 $0xF7A, s2;
	p2 =	seq.s32 @!p0 s5, $0x0  }
0x1f: {  	s9 =	smul.u32 $0xF7A, s1;
	s8 =	simm.s32 @!p0 $0x1BF5;
	p2 =	por !p2, p0  }
0x20: {  	[sflag:s8] =	ssyncset.s32 @!p0 $0xFFFFF086;
	s6 =	sadd.s32 @!p0 s3, s7;
	s7 =	simm.s32 @!p0 $0x108  }
0x21: {  	s3 =	sadd.s32 s3, s9;
	s6 =	sadd.s32 @!p0 $0x88, s6;
	s7 =	simm.s32 @p2 $0x1082  }
0x22: {  	[simem:s7], [sflag:s8] =	dma.local @!p0 [hbm:s6], $0xF7A  }
0x23: {  	s9 =	sor.u32 $0xD0000000, s2;
	s6 =	simm.s32 $0x108;
	_ =	swait.ge @!p0 [sflag:s8], $0x0  }
0x24: {  	s3 =	sadd.s32 $0x88, s3;
	s6 =	simm.s32 @!p1 $0x1082;
	[sflag:s4] =	ssyncset.s32 $0xFFFFF086  }
0x25: {  	[simem:s6], [sflag:s4] =	dma.local [hbm:s3], $0xF7A  }
0x26: {  	[smem:$0x3F98] =	sst s1;
	(tag) =	ssettag s2;
	_ =	strace s9  }
0x27: {  	s1 =	sld [smem:$0x3FA8]  }
0x28: {  	s2 =	sld [smem:$0x3FA9]  }
0x29: {  	s4 =	sld [smem:$0x3FAB]  }
0x2a: {  	p0 =	seq.s32 s5, $0x0;
	s5 =	sld [smem:$0x3FAC]  }
0x2b: {  	s6 =	sld [smem:$0x3FAD]  }
0x2c: {  	s7 =	sld [smem:$0x3FAE]  }
0x2d: {  	s3 =	simm.s32 $0x108;
	s8 =	sld [smem:$0x3FAF]  }
0x2e: {  	s3 =	simm.s32 @!p0 $0x1082;
	s9 =	sld [smem:$0x3FB0]  }
0x2f: {  	lr =	sadd.s32 s0, s3;
	s0 =	sld [smem:$0x3FA7]  }
0x30: {  	s3 =	sld [smem:$0x3FAA]  }
0x31: {  	[smem:$0x3FB3] =	sst s10  }
0x32: {  	s10 =	sld [smem:$0x3FB1];
	_ =	sdelay $0x3  }
0x33: {  	p0 =	seq.s32 s10, $0x1;
	s10 =	sld [smem:$0x3FB3];
	_ =	sdelay $0x3  }
0x34: {  	[smem:$0x3FB3] =	sst s10  }
0x35: {  	s10 =	sld [smem:$0x3FB2];
	_ =	sdelay $0x3  }
0x36: {  	p1 =	seq.s32 s10, $0x1;
	s10 =	sld [smem:$0x3FB3];
	_ =	sdelay $0x3  }
0x37: {  	[smem:$0x3FB3] =	sst s10  }
0x38: {  	s10 =	sld [smem:$0x3FB4]  }
0x39: {  	_ = 	snop;
	(pc) =	sbr.ind lr, $3  }
0x3a: {  	_ = 	snop  }
0x3b: {  	_ = 	snop  }
0x3c: {  	p2 =	seq.s32 s10, $0x1;
	s10 =	sld [smem:$0x3FB3]  }
0x3d: {  	_ =	shalt  }
0x3e: {  	_ =	shalt  }
0x3f: {  	_ =	shalt  }
0x40: {  	_ =	shalt  }
0x41: {  	_ =	shalt  }
0x42: {  	_ =	shalt  }
0x43: {  	_ =	shalt  }
0x44: {  	_ =	shalt  }
0x45: {  	_ =	shalt  }
0x46: {  	_ =	shalt  }
0x47: {  	_ =	shalt  }
0x48: {  	_ =	shalt  }
0x49: {  	_ =	shalt  }
0x4a: {  	_ =	shalt  }
0x4b: {  	_ =	shalt  }
0x4c: {  	_ =	shalt  }
0x4d: {  	_ =	shalt  }
0x4e: {  	_ =	shalt  }
0x4f: {  	_ =	shalt  }
0x50: {  	_ =	shalt  }
0x51: {  	_ =	shalt  }
0x52: {  	_ =	shalt  }
0x53: {  	_ =	shalt  }
0x54: {  	_ =	shalt  }
0x55: {  	_ =	shalt  }
0x56: {  	_ =	shalt  }
0x57: {  	_ =	shalt  }
0x58: {  	_ =	shalt  }
0x59: {  	_ =	shalt  }
0x5a: {  	_ =	shalt  }
0x5b: {  	_ =	shalt  }
0x5c: {  	_ =	shalt  }
0x5d: {  	_ =	shalt  }
0x5e: {  	_ =	shalt  }
0x5f: {  	_ =	shalt  }
0x60: {  	_ =	shalt  }
0x61: {  	_ =	shalt  }
0x62: {  	_ =	shalt  }
0x63: {  	_ =	shalt  }
0x64: {  	_ =	shalt  }
0x65: {  	_ =	shalt  }
0x66: {  	_ =	shalt  }
0x67: {  	_ =	shalt  }
0x68: {  	_ =	shalt  }
0x69: {  	_ =	shalt  }
0x6a: {  	_ =	shalt  }
0x6b: {  	_ =	shalt  }
0x6c: {  	_ =	shalt  }
0x6d: {  	_ =	shalt  }
0x6e: {  	_ =	shalt  }
0x6f: {  	_ =	shalt  }
0x70: {  	_ =	shalt  }
0x71: {  	_ =	shalt  }
0x72: {  	_ =	shalt  }
0x73: {  	_ =	shalt  }
0x74: {  	_ =	shalt  }
0x75: {  	_ =	shalt  }
0x76: {  	_ =	shalt  }
0x77: {  	_ =	shalt  }
0x78: {  	_ =	shalt  }
0x79: {  	_ =	shalt  }
0x7a: {  	_ =	shalt  }
0x7b: {  	_ =	shalt  }
0x7c: {  	_ =	shalt  }
0x7d: {  	_ =	shalt  }
0x7e: {  	_ =	shalt  }
0x7f: {  	_ =	shalt  }
0x80: {  	_ =	shalt  }
0x81: {  	_ =	shalt  }
0x82: {  	_ =	shalt  }
0x83: {  	_ =	shalt  }
0x84: {  	_ =	shalt  }
0x85: {  	_ =	shalt  }
0x86: {  	_ =	shalt  }
0x87: {  	_ =	shalt  }
.Lfunc_end0:
.L_simem_size_0:
called_computation_lowered:
.L_overlay_start_0:
0x88: {  	s2 =	sld [smem:$0x3FD9]  }
0x89: {  	s3 =	sld [smem:$0x3FFE];
	_ =	sdelay $0x1  }
0x8a: {  	s1 =	srdreg.scid  }
0x8b: {  	s0 =	sand.u32 $0x1, s1  }
0x8c: {  	s17 =	sshll.u32 s0, $0xA;
	s2 =	sadd.s32 s3, s2  }
0x8d: {  	s2 =	sadd.s32 s2, s17  }
0x8e: {  	[smem:$0x3FBF] =	sst s2  }
0x8f: {  	_ = 	snop  }
0x90: {  	s2 =	sld [smem:$0x3FC9]  }
0x91: {  	s18 =	sld [smem:$0x3FC8]  }
0x92: {  	s4 =	sld [smem:$0x3FD0];
	(tm) =	ssettm $0x1  }
0x93: {  	s5 =	sld [smem:$0x3FFB];
	_ =	sdelay $0x3  }
0x94: {  	_ =	strace s5  }
0x95: {  	s5 =	sld [smem:$0x3FFC];
	_ =	sdelay $0x3  }
0x96: {  	_ =	strace s5  }
0x97: {  	s5 =	sld [smem:$0x3FFD];
	_ =	sdelay $0x3  }
0x98: {  	_ =	strace s5  }
0x99: {  	_ =	strace $0x8FFFFFFF  }
0x9a: {  	s19 =	sld [smem:$0x3FDB];
	_ =	sdelay $0x1  }
0x9b: {  	s6 =	simm.s32 $_scs_section_size  }
0x9c: {  	s7 =	simm.s32 $_size__tile_overlayer_lowered;
	s8 =	simm.s32 $_tile_overlayer_lowered  }
0x9d: {  	s22 =	simm.s32 $0x1BFF;
	s21 =	sshll.u32 s8, $0x1;
	s5 =	sadd.s32 s6, s19  }
0x9e: {  	s9 =	simm.s32 $0x0;
	s20 =	sshll.u32 s7, $0x1;
	s7 =	sadd.s32 s21, s5  }
0x9f: {  	[timem:s9], [sflag:s22] =	dma.local [hbm:s7], s20  }
0xa0: {  	_ =	swait.ge [sflag:s22], s20  }
0xa1: {  	s6 =	ssub.s32 $0x0, s20;
	[sflag:s22] =	ssyncset.done $0x0  }
0xa2: {  	[sflag:s22] =	ssyncadd.s32 s6;
	_ =	sdelay $0x1  }
0xa3: {  	s23 =	simm.s32 $0x1B8B  }
0xa4: {  	_ =	swait.ge [sflag:s23], $0x1  }
0xa5: {  	[sflag:s23] =	ssyncset.done $0x0  }
0xa6: {  	s25 =	simm.s32 $0x1B8E;
	s24 =	sld [smem:$0x3FFE];
	[sflag:s23] =	ssyncadd.s32 $0xFFFFFFFF  }
0xa7: {  	s26 =	simm.s32 $execute0_lowered;
	[smem:$0x3FD2] =	sst s25  }
0xa8: {  	s7 =	sshll.u32 s26, $0x1;
	_ =	strace $0x80000046;
	[dreg:$0x1] =	wrdreg $0xFFFFFFFF  }
0xa9: {  	s28 =	simm.s32 $_size_execute0_lowered;
	s5 =	sadd.s32 s5, s7;
	[dreg:$0x0] =	wrdreg $0x0  }
0xaa: {  	s7 =	sshll.u32 s28, $0x1;
	[dreg:$0x2] =	wrdreg s5  }
0xab: {  	[dreg:$0x3] =	wrdreg s7  }
0xac: {  	[dreg:$0x4] =	wrdreg $0xC0  }
0xad: {  	_ =	task [dreg:s9], $0x5FFFF  }
0xae: {  	[dreg:$0x1] =	wrdreg $0xFFFFFFFF  }
0xaf: {  	[dreg:$0x0] =	wrdreg $0x60  }
0xb0: {  	[dreg:$0x2] =	wrdreg s2  }
0xb1: {  	[dreg:$0x3] =	wrdreg s24  }
0xb2: {  	[dreg:$0x4] =	wrdreg s18  }
0xb3: {  	[dreg:$0x5] =	wrdreg s4  }
0xb4: {  	[dreg:$0x6] =	wrdreg $0x11D000  }
0xb5: {  	[dreg:$0x7] =	wrdreg $0x12D800  }
0xb6: {  	[dreg:$0x8] =	wrdreg $0x9  }
0xb7: {  	_ =	task.clear_ibuf [dreg:s9], $0x9FFFF;
	_ =	strace $0x90000046  }
0xb8: {  	s29 =	simm.s32 $0x9;
	_ =	strace $0x80000048  }
0xb9: {  	_ =	swait.ge [sflag:s29], $0x1  }
0xba: {  	[sflag:s29] =	ssyncadd.s32 $0xFFFFFFFF  }
0xbb: {  	_ =	strace $0x90000048  }
0xbc: {  	_ =	sfence  }
0xbd: {  	s30 =	sld [smem:$0x0];
	_ =	sdelay $0x2  }
0xbe: {  	s31 =	sshll.u32 s1, $0xD;
	s1 =	sshrl.u32 s1, $0x2  }
0xbf: {  	s3 =	sand.u32 $0x4000, s31;
	s1 =	sadd.s32 s1, s30  }
0xc0: {  	s0 =	sor.u32 s3, s0;
	s1 =	sshll.u32 s1, $0x11  }
0xc1: {  	s0 =	sor.u32 s1, s0  }
0xc2: {  	s0 =	sadd.s32 $0x8F2B, s0  }
0xc3: {  	[sflag:s0] =	ssyncadd.remote.s32 $0x1  }
0xc4: {  	_ =	sfence.sel $0xFFFF  }
0xc5: {  	[dreg:$0x0] =	wrdreg $0xFFFFFFFF;
	(pc) =	sbr.abs _section_cstart, $3  }
0xc6: {  	[dreg:$0x1] =	wrdreg $0xFFFFFFFF  }
0xc7: {  	_ =	task.clear_ibuf [dreg:s9], $0x2FFFF;
	_ =	strace $0x9FFFFFFF  }
0xc8: {  	(tm) =	ssettm $0x7FFFFFFF  }
0xc9: {  	_ =	shalt  }
tec
execute0_lowered:
.L_overlay_start_1:
0x0: {  	(tag) =	ssettag $0x1  }
0x1: {  	s0 =	rddreg [dreg:$0x0]  }
0x2: {  	s1 =	rddreg [dreg:$0x1]  }
0x3: {  	s3 =	rddreg [dreg:$0x2]  }
0x4: {  	s2 =	rddreg [dreg:$0x4]  }
0x5: {  	s4 =	rddreg [dreg:$0x5];
	s5 =	simm.s32 $0x0  }
0x6: {  	s11 =	stileid.u32;
	s7 =	srdreg.scid;
	s29 =	simm.s32 $0x1C00  }
0x7: {  	s31 =	simm.s32 $0x1;
	[smem:$0x7FF] =	sst s5;
	s6 =	smul.u32 $0x380, s11  }
0x8: {  	s7 =	sand.u32 $0x1, s7;
	s8 =	sadd.s32 $0x8600, s1;
	s9 =	sadd.s32 $0x8800, s1  }
0x9: {  	s16 =	sadd.s32 $0x8A00, s1;
	_ =	strace $0x80000047;
	[dreg:$0x7] =	wrdreg s8  }
0xa: {  	s10 =	sadd.s32 $0x8E00, s1;
	s19 =	sshll.u32 s11, $0xC;
	[dreg:$0x8] =	wrdreg s9  }
0xb: {  	s20 =	sshll.u32 s11, $0x6;
	s21 =	smul.u32 $0xC4000, s11;
	[dreg:$0x9] =	wrdreg s16  }
0xc: {  	s22 =	sshll.u32 s11, $0x5;
	[dreg:$0xa] =	wrdreg s10;
	s8 =	sadd.s32 s19, s2  }
0xd: {  	s23 =	smul.u32 $0x18800, s11;
	s16 =	sadd.s32 $0x186800, s0;
	[dreg:$0xc] =	wrdreg s8  }
0xe: {  	s13 =	sadd.s32 s22, s4;
	s19 =	sadd.s32 $0x171000, s0;
	[dreg:$0x16] =	wrdreg s16  }
0xf: {  	s22 =	sadd.s32 $0x170800, s3;
	s6 =	sadd.s32 s6, s1;
	[dreg:$0x19] =	wrdreg s19  }
0x10: {  	s1 =	sadd.s32 $0x8C00, s1;
	s24 =	sshrl.u32 s21, $0x3;
	[dreg:$0x1d] =	wrdreg s22  }
0x11: {  	s28 =	sadd.s32 s0, s23;
	s21 =	sadd.s32 $0x186800, s3;
	[dreg:$0xb] =	wrdreg s1  }
0x12: {  	s8 =	sadd.s32 s3, s23;
	s23 =	sadd.s32 $0x171000, s3;
	[dreg:$0x1c] =	wrdreg s21  }
0x13: {  	p1 =	seq.s32 s11, $0xF;
	s15 =	ssub.s32 $0x2, s7;
	[dreg:$0x1e] =	wrdreg s23  }
0x14: {  	p0 =	seq.s32 s7, $0x1;
	s17 =	sshrl.u32 s15, $0x1;
	[dreg:$0xe] =	wrdreg s28  }
0x15: {  	s18 =	ssub.s32 s15, s17;
	s25 =	sadd.s32 $0x1600, s6;
	[dreg:$0x11] =	wrdreg s8  }
0x16: {  	s26 =	sadd.s32 $0x800, s24;
	s6 =	sadd.s32 $0x4E00, s6;
	[dreg:$0xd] =	wrdreg s25  }
0x17: {  	s7 =	sadd.s32 $0x1000, s24;
	s17 =	sadd.s32 $0x170800, s0;
	[dreg:$0x10] =	wrdreg s6  }
0x18: {  	s15 =	sadd.s32 $0x1800, s24;
	s24 =	sadd.s32 $0x171800, s3;
	[dreg:$0x17] =	wrdreg s17  }
0x19: {  	s12 =	sor.u32 $0x1C0A, s20;
	s28 =	sadd.s32 $0x2000, s28;
	[dreg:$0x1f] =	wrdreg s24  }
0x1a: {  	s9 =	simm.s32 $0x2;
	s14 =	sadd.s32 s0, s26;
	[smem:$0x7FC] =	sst s28  }
0x1b: {  	s10 =	simm.s32 $0x0;
	s30 =	sadd.s32 s3, s26;
	[dreg:$0xf] =	wrdreg s14  }
0x1c: {  	s16 =	simm.s32 $0x9;
	s1 =	smax.u32 s18, $0x1;
	[dreg:$0x12] =	wrdreg s30  }
0x1d: {  	s19 =	simm.s32 $0x5;
	s6 =	sadd.s32 s3, s7;
	[dreg:$0x13] =	wrdreg s1  }
0x1e: {  	s18 =	sadd.s32 s0, s15;
	s20 =	sadd.s32 s3, s15;
	[dreg:$0x15] =	wrdreg s6  }
0x1f: {  	s25 =	sshll.u32 s11, $0x9;
	s26 =	sshll.u32 s11, $0x2;
	[dreg:$0x18] =	wrdreg s18  }
0x20: {  	s24 =	simm.s32 $0xA;
	s3 =	simm.s32 $0x11C80;
	[dreg:$0x1b] =	wrdreg s20  }
.Ltmp0:
0x21: {  	s17 =	simm.s32 $0x8;
	[smem:$0x7FA] =	sst s25;
	(pc) =	sbr.rel .LBB2_1-.Ltmp0, $4  }
0x22: {  	s14 =	sadd.s32 s0, s7;
	s0 =	sadd.s32 $0x171800, s0;
	[smem:$0x7FB] =	sst s26  }
0x23: {  	s30 =	sadd.s32 $0x2000, s8;
	s26 =	simm.s32 $0x11C00;
	[dreg:$0x14] =	wrdreg s14  }
0x24: {  	s6 =	simm.s32 $0x5C00;
	s8 =	simm.s32 $0x6;
	[dreg:$0x1a] =	wrdreg s0  }
0x25: {  	v0 =	vimm.f32 $0.0e+00;
	[smem:$0x7FD] =	sst s30;
	s0 =	simm.s32 $0x80;
	s14 =	simm.s32 $0x7  }
.LBB2_15:
0x26: {  	[sflag:s20] =	ssyncset.done @!p2 $0x0  }
0x27: {  	s1 =	simm.s32 @!p2 $0x0;
	s15 =	sand.u32 $0x3, s6;
	[sflag:s20] =	ssyncadd.s32 @!p2 $0xFFFFFF80  }
0x28: {  	[tilespmem:s11], [sflag:s18] =	stream.linear.gather @!p2 [hbm4b:s7+s1], $0x4000, $0x38;
	[tilespmem:$0x12DA8] =	vst v63  }
0x29: {  	s18 =	sadd.s32 $0x1, s15  }
0x2a: {  	s20 =	sshll.u32 s15, $0xE;
	_ =	swait.ge [sflag:s18], $0x4000  }
0x2b: {  	s21 =	sor.u32 $0x1C00, s20;
	[sflag:s18] =	ssyncset.done $0x0  }
0x2c: {  	s1 =	sadd.s32 $0x5, s15;
	p2 =	sgt.u32 s6, $0x2B;
	[sflag:s18] =	ssyncadd.s32 $0xFFFFC000  }
0x2d: {  	[spmem:s2] =	stream.indirect.scatter.add.f32 [tilespmem:s21], [sflag:s1], $0x80, s23, s0, $0xb8;
	[tilespmem:$0x12DA8] =	vst v63  }
0x2e: {  	s1 =	sand.u32 @!p2 $0x3, s22  }
0x2f: {  	s6 =	sadd.s32 @!p2 $0x5, s1  }
0x30: {  	[spmem:s4] =	stream.indirect.scatter.add.f32 [tilespmem:s26], [sflag:$0x9], $0x1, s23, s0, $0xb8;
	[tilespmem:$0x12DA8] =	vst v63  }
0x31: {  	_ =	swait.ge @!p2 [sflag:s6], $0x4000  }
0x32: {  	[sflag:s6] =	ssyncset.done @!p2 $0x0  }
0x33: {  	[sflag:s6] =	ssyncadd.s32 @!p2 $0xFFFFC000;
	s6 =	simm.s32 @!p2 $0x9  }
0x34: {  	_ =	swait.ge @!p2 [sflag:s6], $0x80  }
0x35: {  	s7 =	sadd.s32 @!p2 $0x1, s1;
	s1 =	sshll.u32 @!p2 s1, $0xE;
	[sflag:s6] =	ssyncset.done @!p2 $0x0  }
0x36: {  	s1 =	sor.u32 @!p2 $0x1C00, s1;
	[sflag:s6] =	ssyncadd.s32 @!p2 $0xFFFFFF80;
	s6 =	simm.s32 @!p2 $0x0  }
0x37: {  	[tilespmem:s1], [sflag:s7] =	stream.linear.gather @!p2 [hbm4b:s3+s6], $0x4000, $0x38;
	[tilespmem:$0x12DA8] =	vst v63  }
0x38: {  	_ =	swait.ge [sflag:s14], $0x4000  }
0x39: {  	[sflag:s14] =	ssyncset.done $0x0  }
0x3a: {  	[sflag:s14] =	ssyncadd.s32 $0xFFFFC000  }
0x3b: {  	_ =	swait.ge [sflag:s16], $0x80  }
0x3c: {  	[sflag:s16] =	ssyncset.done $0x0  }
0x3d: {  	[sflag:s16] =	ssyncadd.s32 $0xFFFFFF80  }
0x3e: {  	_ =	swait.ge [sflag:s17], $0x4000  }
0x3f: {  	[sflag:s17] =	ssyncset.done $0x0  }
0x40: {  	[sflag:s17] =	ssyncadd.s32 $0xFFFFC000  }
0x41: {  	_ =	swait.ge [sflag:s16], $0x80  }
0x42: {  	[sflag:s16] =	ssyncset.done $0x0  }
0x43: {  	[sflag:s16] =	ssyncadd.s32 $0xFFFFFF80  }
0x44: {  	_ =	swait.ge [sflag:s19], $0x4000  }
0x45: {  	[sflag:s19] =	ssyncset.done $0x0  }
0x46: {  	[sflag:s19] =	ssyncadd.s32 $0xFFFFC000  }
0x47: {  	_ =	swait.ge [sflag:s16], $0x80  }
0x48: {  	[sflag:s16] =	ssyncset.done $0x0  }
0x49: {  	[sflag:s16] =	ssyncadd.s32 $0xFFFFFF80  }
0x4a: {  	_ =	swait.ge [sflag:s8], $0x4000  }
0x4b: {  	[sflag:s8] =	ssyncset.done $0x0  }
0x4c: {  	[sflag:s8] =	ssyncadd.s32 $0xFFFFC000  }
0x4d: {  	_ =	swait.ge [sflag:s16], $0x80  }
0x4e: {  	[sflag:s16] =	ssyncset.done $0x0  }
0x4f: {  	s3 =	simm.s32 $0xA;
	s25 =	rddreg [dreg:$0x1c];
	[sflag:s16] =	ssyncadd.s32 $0xFFFFFF80  }
0x50: {  	[tilespmem:s29], [sflag:$0xA] =	stream.linear.gather [hbm4b:s25+s5], $0x1000, $0x38;
	[tilespmem:$0x12DA8] =	vst v63  }
0x51: {  	_ =	swait.ge [sflag:s3], $0x1000  }
0x52: {  	[sflag:s3] =	ssyncset.done $0x0  }
0x53: {  	s30 =	simm.s32 $0x1700;
	[sflag:s3] =	ssyncadd.s32 $0xFFFFF000  }
0x54: {  	[spmem:s2] =	stream.indirect.scatter.add.f32 [tilespmem:s29], [sflag:$0xA], $0x80, s30, s0, $0xb8;
	[tilespmem:$0x12DA8] =	vst v63  }
0x55: {  	_ =	swait.ge [sflag:s3], $0x4000  }
0x56: {  	[sflag:s3] =	ssyncset.done $0x0;
	s7 =	rddreg [dreg:$0xa]  }
0x57: {  	s6 =	rddreg [dreg:$0xb];
	[sflag:s3] =	ssyncadd.s32 $0xFFFFC000  }
0x58: {  	[spmem:s4] =	stream.indirect.scatter.add.f32 [tilespmem:s26], [sflag:$0xA], $0x1, s30, s0, $0xb8;
	[tilespmem:$0x12DA8] =	vst v63  }
.LBB2_16:
0x59: {  	_ =	swait.ge [sflag:s3], $0x80  }
0x5a: {  	s1 =	sld [smem:$0x7FA]  }
0x5b: {  	[sflag:s3] =	ssyncset.done $0x0  }
0x5c: {  	[sflag:s3] =	ssyncadd.s32 $0xFFFFFF80  }
0x5d: {  	[bflag:$0x0] =	sbarrier.arrive $0xFFFF;
	s1 =	sadd.s32 s7, s1  }
0x5e: {  	[hbm:s1], [sflag:s12] =	dma.local [spmem:s28], $0x200  }
0x5f: {  	_ =	swait.ge [sflag:s24], $0x200  }
0x60: {  	[sflag:s24] =	ssyncset.done $0x0  }
0x61: {  	s3 =	simm.s32 $0x11C80;
	[sflag:s24] =	ssyncadd.s32 $0xFFFFFE00  }
0x62: {  	[tilespmem:s3], [sflag:$0xA] =	stream.linear.gather [spmem:s13], $0x20, $0x38;
	[tilespmem:$0x12DA8] =	vst v63  }
0x63: {  	_ =	swait.ge [sflag:s24], $0x20  }
0x64: {  	s28 =	sld [smem:$0x7FB];
	_ =	sdelay $0x1  }
0x65: {  	[sflag:s24] =	ssyncset.done $0x0  }
0x66: {  	[sflag:s24] =	ssyncadd.s32 $0xFFFFFFE0;
	s1 =	sadd.s32 s6, s28  }
0x67: {  	[hbm4b:s1+s5] =	stream.linear.scatter [tilespmem:s3], [sflag:$0xA], $0x20, $0x38;
	[tilespmem:$0x12DA8] =	vst v63  }
0x68: {  	_ =	swait.ge [sflag:s24], $0x20  }
0x69: {  	s10 =	sadd.s32 $0x1, s10;
	s30 =	rddreg [dreg:$0x13]  }
0x6a: {  	p2 =	sne.s32 s10, s30  }
.Ltmp1:
0x6b: {  	_ = 	snop;
	(pc) =	sbr.rel @!p2 .LBB2_17-.Ltmp1, $3  }
0x6c: {  	_ =	sdelay $0x1  }
0x6d: {  	[sflag:s24] =	ssyncset.done $0x0  }
0x6e: {  	s6 =	simm.s32 $0x5C00;
	[sflag:s24] =	ssyncadd.s32 $0xFFFFFFE0  }
.LBB2_1:
0x6f: {  	s1 =	rddreg [dreg:$0xc]  }
0x70: {  	s25 =	rddreg [dreg:$0x7];
	s28 =	sshrl.u32 s1, $0x3  }
0x71: {  	[spmem:s28], [sflag:s12] =	dma.local [hbm:s25], $0x200  }
0x72: {  	_ =	swait.ge [sflag:s24], $0x200  }
0x73: {  	[sflag:s24] =	ssyncset.done $0x0  }
0x74: {  	[sflag:s24] =	ssyncadd.s32 $0xFFFFFE00  }
0x75: {  	[tilespmem:$0x11C80] =	vst v0  }
0x76: {  	[tilespmem:$0x11C90] =	vst v0  }
0x77: {  	[spmem:s13] =	stream.linear.scatter [tilespmem:s3], [sflag:$0xA], $0x20, $0x38;
	[tilespmem:$0x12DA8] =	vst v63  }
0x78: {  	_ =	swait.ge [sflag:s24], $0x20  }
0x79: {  	[sflag:s24] =	ssyncset.done $0x0  }
0x7a: {  	s30 =	rddreg [dreg:$0x8];
	[sflag:s24] =	ssyncadd.s32 $0xFFFFFFE0  }
0x7b: {  	[tilespmem:s26], [sflag:$0xA] =	stream.linear.gather [hbm4b:s30+s5], $0x80, $0x38;
	[tilespmem:$0x12DA8] =	vst v63  }
.Ltmp2:
0x7c: {  	_ =	swait.ge [sflag:s24], $0x80;
	(pc) =	sbr.rel @!p0 .LBB2_2-.Ltmp2, $3  }
0x7d: {  	[sflag:s24] =	ssyncset.done $0x0  }
0x7e: {  	[sflag:s24] =	ssyncadd.s32 $0xFFFFFF80  }
0x7f: {  	[bflag:$0x0] =	sbarrier.arrive $0xFFFF;
	_ =	sdelay $0x1  }
0x80: {  	s1 =	rddreg [dreg:$0x10]  }
0x81: {  	[tilespmem:s5], [sflag:$0xA] =	stream.linear.gather [hbm4b:s1+s5], $0x1880, $0x38;
	[tilespmem:$0x12DA8] =	vst v63  }
0x82: {  	_ =	swait.ge [sflag:s24], $0x1880  }
0x83: {  	[sflag:s24] =	ssyncset.done $0x0  }
0x84: {  	s25 =	rddreg [dreg:$0x11];
	[sflag:s24] =	ssyncadd.s32 $0xFFFFE780  }
0x85: {  	[tilespmem:s29], [sflag:$0x1] =	stream.linear.gather [hbm4b:s25+s5], $0x4000, $0x38;
	[tilespmem:$0x12DA8] =	vst v63  }
0x86: {  	s30 =	rddreg [dreg:$0x12]  }
0x87: {  	[tilespmem:s6], [sflag:$0x2] =	stream.linear.gather [hbm4b:s30+s5], $0x4000, $0x38;
	[tilespmem:$0x12DA8] =	vst v63  }
0x88: {  	_ =	swait.ge [sflag:s31], $0x4000  }
.Ltmp3:
0x89: {  	[sflag:s31] =	ssyncset.done $0x0;
	(pc) =	sbr.rel @!p1 .LBB2_10-.Ltmp3, $4  }
0x8a: {  	[sflag:s31] =	ssyncadd.s32 $0xFFFFC000  }
0x8b: {  	[spmem:s2] =	stream.indirect.scatter.add.f32 [tilespmem:s29], [sflag:$0x5], $0x80, s5, s0, $0xb8;
	[tilespmem:$0x12DA8] =	vst v63  }
0x8c: {  	_ = 	snop  }
0x8d: {  	[spmem:s4] =	stream.indirect.scatter.add.f32 [tilespmem:s26], [sflag:$0x9], $0x1, s5, s0, $0xb8;
	[tilespmem:$0x12DA8] =	vst v63  }
0x8e: {  	s1 =	rddreg [dreg:$0x1d];
	s3 =	simm.s32 $0x9C00  }
0x8f: {  	[tilespmem:s3], [sflag:$0x3] =	stream.linear.gather [hbm4b:s1+s5], $0x4000, $0x38;
	[tilespmem:$0x12DA8] =	vst v63  }
0x90: {  	_ =	swait.ge [sflag:s9], $0x4000  }
0x91: {  	[sflag:s9] =	ssyncset.done $0x0  }
0x92: {  	s30 =	simm.s32 $0x2;
	[sflag:s9] =	ssyncadd.s32 $0xFFFFC000  }
0x93: {  	[spmem:s2] =	stream.indirect.scatter.add.f32 [tilespmem:s6], [sflag:$0x6], $0x80, s0, s0, $0xb8;
	[tilespmem:$0x12DA8] =	vst v63  }
0x94: {  	s1 =	sand.u32 $0x3, s30  }
0x95: {  	[spmem:s4] =	stream.indirect.scatter.add.f32 [tilespmem:s26], [sflag:$0x9], $0x1, s0, s0, $0xb8;
	[tilespmem:$0x12DA8] =	vst v63  }
0x96: {  	s23 =	simm.s32 $0xDC00;
	s7 =	sadd.s32 $0x1, s1;
	s22 =	rddreg [dreg:$0x1e]  }
0x97: {  	[tilespmem:s23], [sflag:$0x4] =	stream.linear.gather [hbm4b:s22+s5], $0x4000, $0x38;
	[tilespmem:$0x12DA8] =	vst v63  }
0x98: {  	s25 =	simm.s32 $0x100;
	p2 =	por $0x0, $0x0;
	_ =	swait.ge [sflag:s7], $0x4000  }
0x99: {  	s11 =	sshll.u32 s1, $0xE;
	s1 =	sadd.s32 $0x5, s1;
	[sflag:s7] =	ssyncset.done $0x0  }
0x9a: {  	s11 =	sor.u32 $0x1C00, s11;
	s6 =	simm.s32 $0x4;
	[sflag:s7] =	ssyncadd.s32 $0xFFFFC000  }
0x9b: {  	[spmem:s2] =	stream.indirect.scatter.add.f32 [tilespmem:s11], [sflag:s1], $0x80, s25, s0, $0xb8;
	[tilespmem:$0x12DA8] =	vst v63  }
0x9c: {  	s1 =	sand.u32 @!p2 $0x3, s6  }
0x9d: {  	s3 =	sadd.s32 @!p2 $0x5, s1  }
0x9e: {  	[spmem:s4] =	stream.indirect.scatter.add.f32 [tilespmem:s26], [sflag:$0x9], $0x1, s25, s0, $0xb8;
	[tilespmem:$0x12DA8] =	vst v63  }
0x9f: {  	_ =	swait.ge @!p2 [sflag:s3], $0x4000  }
0xa0: {  	[sflag:s3] =	ssyncset.done @!p2 $0x0  }
0xa1: {  	s15 =	simm.s32 $0x6;
	s20 =	simm.s32 @!p2 $0x9;
	[sflag:s3] =	ssyncadd.s32 @!p2 $0xFFFFC000  }
0xa2: {  	s22 =	simm.s32 $0x5;
	s23 =	simm.s32 $0x180;
	_ =	swait.ge @!p2 [sflag:s20], $0x80  }
0xa3: {  	s6 =	sshll.u32 @!p2 s1, $0xE;
	s18 =	sadd.s32 @!p2 $0x1, s1;
	s7 =	rddreg [dreg:$0x1f]  }
0xa4: {  	s11 =	sor.u32 @!p2 $0x1C00, s6;
	s6 =	simm.s32 $0x3;
	s3 =	sadd.s32 $0x800, s7  }
.LBB2_14:
0xa5: {  	s1 =	sand.u32 $0x3, s6;
	[sflag:s20] =	ssyncset.done @!p2 $0x0;
	s21 =	simm.s32 @!p2 $0x0  }
0xa6: {  	s25 =	sadd.s32 $0x1, s1;
	s30 =	sshll.u32 s1, $0xE;
	[sflag:s20] =	ssyncadd.s32 @!p2 $0xFFFFFF80  }
0xa7: {  	[tilespmem:s11], [sflag:s18] =	stream.linear.gather @!p2 [hbm4b:s7+s21], $0x4000, $0x38;
	[tilespmem:$0x12DA8] =	vst v63  }
0xa8: {  	s7 =	smov.u32 s15;
	s15 =	sadd.s32 $0x1, s15;
	_ =	swait.ge [sflag:s25], $0x4000  }
0xa9: {  	p2 =	sgt.u32 s6, $0x2B;
	p3 =	sne.s32 s15, $0x30;
	[sflag:s25] =	ssyncset.done $0x0  }
0xaa: {  	s1 =	sadd.s32 $0x5, s1;
	s6 =	sor.u32 $0x1C00, s30;
	[sflag:s25] =	ssyncadd.s32 $0xFFFFC000  }
0xab: {  	[spmem:s2] =	stream.indirect.scatter.add.f32 [tilespmem:s6], [sflag:s1], $0x80, s23, s0, $0xb8;
	[tilespmem:$0x12DA8] =	vst v63  }
0xac: {  	s1 =	sand.u32 @!p2 $0x3, s22  }
0xad: {  	s22 =	smov.u32 s7;
	s7 =	smov.u32 s3;
	s6 =	sadd.s32 @!p2 $0x5, s1  }
0xae: {  	[spmem:s4] =	stream.indirect.scatter.add.f32 [tilespmem:s26], [sflag:$0x9], $0x1, s23, s0, $0xb8;
	[tilespmem:$0x12DA8] =	vst v63  }
.Ltmp4:
0xaf: {  	s18 =	sadd.s32 @!p2 $0x1, s1;
	s1 =	sshll.u32 @!p2 s1, $0xE;
	(pc) =	sbr.rel @p3 .LBB2_14-.Ltmp4, $4  }
0xb0: {  	s11 =	sor.u32 @!p2 $0x1C00, s1;
	_ =	swait.ge @!p2 [sflag:s6], $0x4000  }
0xb1: {  	[sflag:s6] =	ssyncset.done @!p2 $0x0  }
0xb2: {  	s20 =	simm.s32 @!p2 $0x9;
	s23 =	sadd.s32 $0x80, s23;
	[sflag:s6] =	ssyncadd.s32 @!p2 $0xFFFFC000  }
0xb3: {  	s3 =	sadd.s32 $0x800, s3;
	s6 =	sadd.s32 $0xFFFFFFFE, s22;
	_ =	swait.ge @!p2 [sflag:s20], $0x80  }
.Ltmp5:
0xb4: {  	_ = 	snop;
	(pc) =	sbr.rel .LBB2_15-.Ltmp5, $1  }
0xb5: {  	_ =	sdelay $0x3  }
.LBB2_2:
0xb6: {  	s1 =	rddreg [dreg:$0xd]  }
0xb7: {  	[tilespmem:s5], [sflag:$0xA] =	stream.linear.gather [hbm4b:s1+s5], $0x1880, $0x38;
	[tilespmem:$0x12DA8] =	vst v63  }
0xb8: {  	_ =	swait.ge [sflag:s24], $0x1880  }
0xb9: {  	[sflag:s24] =	ssyncset.done $0x0  }
0xba: {  	s25 =	rddreg [dreg:$0xe];
	[sflag:s24] =	ssyncadd.s32 $0xFFFFE780  }
0xbb: {  	[tilespmem:s29], [sflag:$0x1] =	stream.linear.gather [hbm4b:s25+s5], $0x4000, $0x38;
	[tilespmem:$0x12DA8] =	vst v63  }
0xbc: {  	s30 =	rddreg [dreg:$0xf]  }
0xbd: {  	[tilespmem:s6], [sflag:$0x2] =	stream.linear.gather [hbm4b:s30+s5], $0x4000, $0x38;
	[tilespmem:$0x12DA8] =	vst v63  }
0xbe: {  	_ =	swait.ge [sflag:s31], $0x4000  }
.Ltmp6:
0xbf: {  	[sflag:s31] =	ssyncset.done $0x0;
	(pc) =	sbr.rel @!p1 .LBB2_3-.Ltmp6, $4  }
0xc0: {  	[sflag:s31] =	ssyncadd.s32 $0xFFFFC000  }
0xc1: {  	[spmem:s2] =	stream.indirect.scatter.add.f32 [tilespmem:s29], [sflag:$0x5], $0x80, s5, s0, $0xb8;
	[tilespmem:$0x12DA8] =	vst v63  }
0xc2: {  	_ = 	snop  }
0xc3: {  	[spmem:s4] =	stream.indirect.scatter.add.f32 [tilespmem:s26], [sflag:$0x9], $0x1, s5, s0, $0xb8;
	[tilespmem:$0x12DA8] =	vst v63  }
0xc4: {  	s1 =	rddreg [dreg:$0x17];
	s3 =	simm.s32 $0x9C00  }
0xc5: {  	[tilespmem:s3], [sflag:$0x3] =	stream.linear.gather [hbm4b:s1+s5], $0x4000, $0x38;
	[tilespmem:$0x12DA8] =	vst v63  }
0xc6: {  	_ =	swait.ge [sflag:s9], $0x4000  }
0xc7: {  	[sflag:s9] =	ssyncset.done $0x0  }
0xc8: {  	s30 =	simm.s32 $0x2;
	[sflag:s9] =	ssyncadd.s32 $0xFFFFC000  }
0xc9: {  	[spmem:s2] =	stream.indirect.scatter.add.f32 [tilespmem:s6], [sflag:$0x6], $0x80, s0, s0, $0xb8;
	[tilespmem:$0x12DA8] =	vst v63  }
0xca: {  	s1 =	sand.u32 $0x3, s30  }
0xcb: {  	[spmem:s4] =	stream.indirect.scatter.add.f32 [tilespmem:s26], [sflag:$0x9], $0x1, s0, s0, $0xb8;
	[tilespmem:$0x12DA8] =	vst v63  }
0xcc: {  	s23 =	simm.s32 $0xDC00;
	s7 =	sadd.s32 $0x1, s1;
	s22 =	rddreg [dreg:$0x19]  }
0xcd: {  	[tilespmem:s23], [sflag:$0x4] =	stream.linear.gather [hbm4b:s22+s5], $0x4000, $0x38;
	[tilespmem:$0x12DA8] =	vst v63  }
0xce: {  	s25 =	simm.s32 $0x100;
	p2 =	por $0x0, $0x0;
	_ =	swait.ge [sflag:s7], $0x4000  }
0xcf: {  	s11 =	sshll.u32 s1, $0xE;
	s1 =	sadd.s32 $0x5, s1;
	[sflag:s7] =	ssyncset.done $0x0  }
0xd0: {  	s11 =	sor.u32 $0x1C00, s11;
	s6 =	simm.s32 $0x4;
	[sflag:s7] =	ssyncadd.s32 $0xFFFFC000  }
0xd1: {  	[spmem:s2] =	stream.indirect.scatter.add.f32 [tilespmem:s11], [sflag:s1], $0x80, s25, s0, $0xb8;
	[tilespmem:$0x12DA8] =	vst v63  }
0xd2: {  	s1 =	sand.u32 @!p2 $0x3, s6  }
0xd3: {  	s3 =	sadd.s32 @!p2 $0x5, s1  }
0xd4: {  	[spmem:s4] =	stream.indirect.scatter.add.f32 [tilespmem:s26], [sflag:$0x9], $0x1, s25, s0, $0xb8;
	[tilespmem:$0x12DA8] =	vst v63  }
0xd5: {  	_ =	swait.ge @!p2 [sflag:s3], $0x4000  }
0xd6: {  	[sflag:s3] =	ssyncset.done @!p2 $0x0  }
0xd7: {  	s15 =	simm.s32 $0x6;
	s20 =	simm.s32 @!p2 $0x9;
	[sflag:s3] =	ssyncadd.s32 @!p2 $0xFFFFC000  }
0xd8: {  	s18 =	simm.s32 $0x3;
	s7 =	sshll.u32 @!p2 s1, $0xE;
	_ =	swait.ge @!p2 [sflag:s20], $0x80  }
0xd9: {  	s22 =	simm.s32 $0x5;
	s11 =	sor.u32 @!p2 $0x1C00, s7;
	s7 =	rddreg [dreg:$0x1a]  }
0xda: {  	s23 =	simm.s32 $0x180;
	s6 =	sadd.s32 @!p2 $0x1, s1;
	s3 =	sadd.s32 $0x800, s7  }
.LBB2_7:
0xdb: {  	s1 =	sand.u32 $0x3, s18;
	[sflag:s20] =	ssyncset.done @!p2 $0x0;
	s21 =	simm.s32 @!p2 $0x0  }
0xdc: {  	s25 =	sadd.s32 $0x1, s1;
	s30 =	sshll.u32 s1, $0xE;
	[sflag:s20] =	ssyncadd.s32 @!p2 $0xFFFFFF80  }
0xdd: {  	[tilespmem:s11], [sflag:s6] =	stream.linear.gather @!p2 [hbm4b:s7+s21], $0x4000, $0x38;
	[tilespmem:$0x12DA8] =	vst v63  }
0xde: {  	s6 =	smov.u32 s15;
	s15 =	sadd.s32 $0x1, s15;
	_ =	swait.ge [sflag:s25], $0x4000  }
0xdf: {  	p2 =	sgt.u32 s18, $0x2B;
	p3 =	sne.s32 s15, $0x30;
	[sflag:s25] =	ssyncset.done $0x0  }
0xe0: {  	s1 =	sadd.s32 $0x5, s1;
	s7 =	sor.u32 $0x1C00, s30;
	[sflag:s25] =	ssyncadd.s32 $0xFFFFC000  }
0xe1: {  	[spmem:s2] =	stream.indirect.scatter.add.f32 [tilespmem:s7], [sflag:s1], $0x80, s23, s0, $0xb8;
	[tilespmem:$0x12DA8] =	vst v63  }
0xe2: {  	s1 =	sand.u32 @!p2 $0x3, s22  }
0xe3: {  	s22 =	smov.u32 s6;
	s7 =	smov.u32 s3;
	s18 =	sadd.s32 @!p2 $0x5, s1  }
0xe4: {  	[spmem:s4] =	stream.indirect.scatter.add.f32 [tilespmem:s26], [sflag:$0x9], $0x1, s23, s0, $0xb8;
	[tilespmem:$0x12DA8] =	vst v63  }
.Ltmp7:
0xe5: {  	s6 =	sadd.s32 @!p2 $0x1, s1;
	s1 =	sshll.u32 @!p2 s1, $0xE;
	(pc) =	sbr.rel @p3 .LBB2_7-.Ltmp7, $4  }
0xe6: {  	s11 =	sor.u32 @!p2 $0x1C00, s1;
	_ =	swait.ge @!p2 [sflag:s18], $0x4000  }
0xe7: {  	[sflag:s18] =	ssyncset.done @!p2 $0x0  }
0xe8: {  	s20 =	simm.s32 @!p2 $0x9;
	s23 =	sadd.s32 $0x80, s23;
	[sflag:s18] =	ssyncadd.s32 @!p2 $0xFFFFC000  }
0xe9: {  	s3 =	sadd.s32 $0x800, s3;
	s18 =	sadd.s32 $0xFFFFFFFE, s22;
	_ =	swait.ge @!p2 [sflag:s20], $0x80  }
0xea: {  	[sflag:s20] =	ssyncset.done @!p2 $0x0  }
0xeb: {  	s1 =	simm.s32 @!p2 $0x0;
	[sflag:s20] =	ssyncadd.s32 @!p2 $0xFFFFFF80  }
0xec: {  	[tilespmem:s11], [sflag:s6] =	stream.linear.gather @!p2 [hbm4b:s7+s1], $0x4000, $0x38;
	[tilespmem:$0x12DA8] =	vst v63  }
0xed: {  	s11 =	sand.u32 $0x3, s18  }
0xee: {  	s15 =	sadd.s32 $0x1, s11  }
0xef: {  	_ =	swait.ge [sflag:s15], $0x4000  }
0xf0: {  	p2 =	sgt.u32 s18, $0x2B;
	s20 =	sshll.u32 s11, $0xE;
	[sflag:s15] =	ssyncset.done $0x0  }
0xf1: {  	s1 =	sadd.s32 $0x5, s11;
	s21 =	sor.u32 $0x1C00, s20;
	[sflag:s15] =	ssyncadd.s32 $0xFFFFC000  }
0xf2: {  	[spmem:s2] =	stream.indirect.scatter.add.f32 [tilespmem:s21], [sflag:s1], $0x80, s23, s0, $0xb8;
	[tilespmem:$0x12DA8] =	vst v63  }
0xf3: {  	s1 =	sand.u32 @!p2 $0x3, s22  }
0xf4: {  	s6 =	sadd.s32 @!p2 $0x5, s1  }
0xf5: {  	[spmem:s4] =	stream.indirect.scatter.add.f32 [tilespmem:s26], [sflag:$0x9], $0x1, s23, s0, $0xb8;
	[tilespmem:$0x12DA8] =	vst v63  }
0xf6: {  	_ =	swait.ge @!p2 [sflag:s6], $0x4000  }
0xf7: {  	[sflag:s6] =	ssyncset.done @!p2 $0x0  }
0xf8: {  	[sflag:s6] =	ssyncadd.s32 @!p2 $0xFFFFC000;
	s6 =	simm.s32 @!p2 $0x9  }
0xf9: {  	_ =	swait.ge @!p2 [sflag:s6], $0x80  }
0xfa: {  	s7 =	sadd.s32 @!p2 $0x1, s1;
	s1 =	sshll.u32 @!p2 s1, $0xE;
	[sflag:s6] =	ssyncset.done @!p2 $0x0  }
0xfb: {  	s1 =	sor.u32 @!p2 $0x1C00, s1;
	[sflag:s6] =	ssyncadd.s32 @!p2 $0xFFFFFF80;
	s6 =	simm.s32 @!p2 $0x0  }
0xfc: {  	[tilespmem:s1], [sflag:s7] =	stream.linear.gather @!p2 [hbm4b:s3+s6], $0x4000, $0x38;
	[tilespmem:$0x12DA8] =	vst v63  }
0xfd: {  	_ =	swait.ge [sflag:s14], $0x4000  }
0xfe: {  	[sflag:s14] =	ssyncset.done $0x0  }
0xff: {  	[sflag:s14] =	ssyncadd.s32 $0xFFFFC000  }
0x100: {  	_ =	swait.ge [sflag:s16], $0x80  }
0x101: {  	[sflag:s16] =	ssyncset.done $0x0  }
0x102: {  	[sflag:s16] =	ssyncadd.s32 $0xFFFFFF80  }
0x103: {  	_ =	swait.ge [sflag:s17], $0x4000  }
0x104: {  	[sflag:s17] =	ssyncset.done $0x0  }
0x105: {  	[sflag:s17] =	ssyncadd.s32 $0xFFFFC000  }
0x106: {  	_ =	swait.ge [sflag:s16], $0x80  }
0x107: {  	[sflag:s16] =	ssyncset.done $0x0  }
0x108: {  	[sflag:s16] =	ssyncadd.s32 $0xFFFFFF80  }
0x109: {  	_ =	swait.ge [sflag:s19], $0x4000  }
0x10a: {  	[sflag:s19] =	ssyncset.done $0x0  }
0x10b: {  	[sflag:s19] =	ssyncadd.s32 $0xFFFFC000  }
0x10c: {  	_ =	swait.ge [sflag:s16], $0x80  }
0x10d: {  	[sflag:s16] =	ssyncset.done $0x0  }
0x10e: {  	[sflag:s16] =	ssyncadd.s32 $0xFFFFFF80  }
0x10f: {  	_ =	swait.ge [sflag:s8], $0x4000  }
0x110: {  	[sflag:s8] =	ssyncset.done $0x0  }
0x111: {  	[sflag:s8] =	ssyncadd.s32 $0xFFFFC000  }
0x112: {  	_ =	swait.ge [sflag:s16], $0x80  }
0x113: {  	[sflag:s16] =	ssyncset.done $0x0  }
0x114: {  	s3 =	simm.s32 $0xA;
	s25 =	rddreg [dreg:$0x16];
	[sflag:s16] =	ssyncadd.s32 $0xFFFFFF80  }
0x115: {  	[tilespmem:s29], [sflag:$0xA] =	stream.linear.gather [hbm4b:s25+s5], $0x1000, $0x38;
	[tilespmem:$0x12DA8] =	vst v63  }
0x116: {  	_ =	swait.ge [sflag:s3], $0x1000  }
0x117: {  	[sflag:s3] =	ssyncset.done $0x0  }
0x118: {  	s30 =	simm.s32 $0x1700;
	[sflag:s3] =	ssyncadd.s32 $0xFFFFF000  }
0x119: {  	[spmem:s2] =	stream.indirect.scatter.add.f32 [tilespmem:s29], [sflag:$0xA], $0x80, s30, s0, $0xb8;
	[tilespmem:$0x12DA8] =	vst v63  }
.Ltmp8:
0x11a: {  	_ =	swait.ge [sflag:s3], $0x4000;
	(pc) =	sbr.rel .LBB2_16-.Ltmp8, $4  }
0x11b: {  	[sflag:s3] =	ssyncset.done $0x0  }
0x11c: {  	s6 =	rddreg [dreg:$0x9];
	[sflag:s3] =	ssyncadd.s32 $0xFFFFC000  }
0x11d: {  	[spmem:s4] =	stream.indirect.scatter.add.f32 [tilespmem:s26], [sflag:$0xA], $0x1, s30, s0, $0xb8;
	[tilespmem:$0x12DA8] =	vst v63  }
0x11e: {  	s7 =	rddreg [dreg:$0x3]  }
.LBB2_10:
0x11f: {  	s1 =	rddreg [dreg:$0x15];
	s3 =	simm.s32 $0x9C00  }
0x120: {  	[tilespmem:s3], [sflag:$0x3] =	stream.linear.gather [hbm4b:s1+s5], $0x4000, $0x38;
	[tilespmem:$0x12DA8] =	vst v63  }
0x121: {  	_ =	swait.ge [sflag:s9], $0x4000  }
0x122: {  	[sflag:s9] =	ssyncset.done $0x0  }
0x123: {  	s30 =	simm.s32 $0x2;
	[sflag:s9] =	ssyncadd.s32 $0xFFFFC000  }
0x124: {  	[spmem:s2] =	stream.indirect.scatter.add.f32 [tilespmem:s6], [sflag:$0x6], $0x80, s0, s0, $0xb8;
	[tilespmem:$0x12DA8] =	vst v63  }
0x125: {  	s1 =	sand.u32 $0x3, s30  }
0x126: {  	[spmem:s4] =	stream.indirect.scatter.add.f32 [tilespmem:s26], [sflag:$0x9], $0x1, s0, s0, $0xb8;
	[tilespmem:$0x12DA8] =	vst v63  }
0x127: {  	s23 =	simm.s32 $0xDC00;
	s7 =	sadd.s32 $0x1, s1;
	s22 =	rddreg [dreg:$0x1b]  }
0x128: {  	[tilespmem:s23], [sflag:$0x4] =	stream.linear.gather [hbm4b:s22+s5], $0x4000, $0x38;
	[tilespmem:$0x12DA8] =	vst v63  }
0x129: {  	s25 =	simm.s32 $0x100;
	p2 =	por $0x0, $0x0;
	_ =	swait.ge [sflag:s7], $0x4000  }
0x12a: {  	s11 =	sshll.u32 s1, $0xE;
	s1 =	sadd.s32 $0x5, s1;
	[sflag:s7] =	ssyncset.done $0x0  }
0x12b: {  	s11 =	sor.u32 $0x1C00, s11;
	s6 =	simm.s32 $0x4;
	[sflag:s7] =	ssyncadd.s32 $0xFFFFC000  }
0x12c: {  	[spmem:s2] =	stream.indirect.scatter.add.f32 [tilespmem:s11], [sflag:s1], $0x80, s25, s0, $0xb8;
	[tilespmem:$0x12DA8] =	vst v63  }
0x12d: {  	s1 =	sand.u32 @!p2 $0x3, s6  }
0x12e: {  	s3 =	sadd.s32 @!p2 $0x5, s1  }
0x12f: {  	[spmem:s4] =	stream.indirect.scatter.add.f32 [tilespmem:s26], [sflag:$0x9], $0x1, s25, s0, $0xb8;
	[tilespmem:$0x12DA8] =	vst v63  }
0x130: {  	_ =	swait.ge @!p2 [sflag:s3], $0x4000  }
0x131: {  	[sflag:s3] =	ssyncset.done @!p2 $0x0  }
0x132: {  	s20 =	simm.s32 @!p2 $0x9;
	[sflag:s3] =	ssyncadd.s32 @!p2 $0xFFFFC000  }
0x133: {  	s6 =	sshll.u32 @!p2 s1, $0xE;
	_ =	swait.ge @!p2 [sflag:s20], $0x80  }
0x134: {  	s7 =	sor.u32 @!p2 $0x1C00, s6;
	s6 =	sld [smem:$0x7FD];
	_ =	sdelay $0x1  }
0x135: {  	s15 =	simm.s32 $0x6;
	s22 =	simm.s32 $0x5;
	s23 =	simm.s32 $0x180  }
0x136: {  	s11 =	simm.s32 $0x3;
	s18 =	sadd.s32 @!p2 $0x1, s1;
	s3 =	sadd.s32 $0x800, s6  }
.LBB2_11:
0x137: {  	s1 =	sand.u32 $0x3, s11;
	[sflag:s20] =	ssyncset.done @!p2 $0x0;
	s21 =	simm.s32 @!p2 $0x0  }
0x138: {  	s25 =	sadd.s32 $0x1, s1;
	s30 =	sshll.u32 s1, $0xE;
	[sflag:s20] =	ssyncadd.s32 @!p2 $0xFFFFFF80  }
0x139: {  	[tilespmem:s7], [sflag:s18] =	stream.linear.gather @!p2 [hbm4b:s6+s21], $0x4000, $0x38;
	[tilespmem:$0x12DA8] =	vst v63  }
0x13a: {  	s6 =	smov.u32 s15;
	s15 =	sadd.s32 $0x1, s15;
	_ =	swait.ge [sflag:s25], $0x4000  }
0x13b: {  	p2 =	sgt.u32 s11, $0x2E;
	p3 =	sne.s32 s15, $0x33;
	[sflag:s25] =	ssyncset.done $0x0  }
0x13c: {  	s1 =	sadd.s32 $0x5, s1;
	s7 =	sor.u32 $0x1C00, s30;
	[sflag:s25] =	ssyncadd.s32 $0xFFFFC000  }
0x13d: {  	[spmem:s2] =	stream.indirect.scatter.add.f32 [tilespmem:s7], [sflag:s1], $0x80, s23, s0, $0xb8;
	[tilespmem:$0x12DA8] =	vst v63  }
0x13e: {  	s1 =	sand.u32 @!p2 $0x3, s22  }
0x13f: {  	s22 =	smov.u32 s6;
	s6 =	smov.u32 s3;
	s11 =	sadd.s32 @!p2 $0x5, s1  }
0x140: {  	[spmem:s4] =	stream.indirect.scatter.add.f32 [tilespmem:s26], [sflag:$0x9], $0x1, s23, s0, $0xb8;
	[tilespmem:$0x12DA8] =	vst v63  }
.Ltmp9:
0x141: {  	s18 =	sadd.s32 @!p2 $0x1, s1;
	s1 =	sshll.u32 @!p2 s1, $0xE;
	(pc) =	sbr.rel @p3 .LBB2_11-.Ltmp9, $4  }
0x142: {  	s7 =	sor.u32 @!p2 $0x1C00, s1;
	_ =	swait.ge @!p2 [sflag:s11], $0x4000  }
0x143: {  	[sflag:s11] =	ssyncset.done @!p2 $0x0  }
0x144: {  	s20 =	simm.s32 @!p2 $0x9;
	s23 =	sadd.s32 $0x80, s23;
	[sflag:s11] =	ssyncadd.s32 @!p2 $0xFFFFC000  }
0x145: {  	s3 =	sadd.s32 $0x800, s3;
	s11 =	sadd.s32 $0xFFFFFFFE, s22;
	_ =	swait.ge @!p2 [sflag:s20], $0x80  }
0x146: {  	s1 =	sand.u32 $0x3, s11;
	[sflag:s20] =	ssyncset.done @!p2 $0x0  }
0x147: {  	s15 =	simm.s32 @!p2 $0x0;
	s21 =	sadd.s32 $0x1, s1;
	[sflag:s20] =	ssyncadd.s32 @!p2 $0xFFFFFF80  }
0x148: {  	[tilespmem:s7], [sflag:s18] =	stream.linear.gather @!p2 [hbm4b:s6+s15], $0x4000, $0x38;
	[tilespmem:$0x12DA8] =	vst v63  }
0x149: {  	_ =	swait.ge [sflag:s21], $0x4000  }
0x14a: {  	s30 =	sshll.u32 s1, $0xE;
	s1 =	sadd.s32 $0x5, s1;
	[sflag:s21] =	ssyncset.done $0x0  }
0x14b: {  	p2 =	sgt.u32 s11, $0x2E;
	s6 =	sor.u32 $0x1C00, s30;
	[sflag:s21] =	ssyncadd.s32 $0xFFFFC000  }
0x14c: {  	[spmem:s2] =	stream.indirect.scatter.add.f32 [tilespmem:s6], [sflag:s1], $0x80, s23, s0, $0xb8;
	[tilespmem:$0x12DA8] =	vst v63  }
0x14d: {  	s1 =	sand.u32 @!p2 $0x3, s22  }
0x14e: {  	s6 =	sadd.s32 @!p2 $0x5, s1  }
0x14f: {  	[spmem:s4] =	stream.indirect.scatter.add.f32 [tilespmem:s26], [sflag:$0x9], $0x1, s23, s0, $0xb8;
	[tilespmem:$0x12DA8] =	vst v63  }
0x150: {  	_ =	swait.ge @!p2 [sflag:s6], $0x4000  }
0x151: {  	[sflag:s6] =	ssyncset.done @!p2 $0x0  }
0x152: {  	[sflag:s6] =	ssyncadd.s32 @!p2 $0xFFFFC000;
	s6 =	simm.s32 @!p2 $0x9  }
0x153: {  	_ =	swait.ge @!p2 [sflag:s6], $0x80  }
0x154: {  	s7 =	sadd.s32 @!p2 $0x1, s1;
	s1 =	sshll.u32 @!p2 s1, $0xE;
	[sflag:s6] =	ssyncset.done @!p2 $0x0  }
0x155: {  	s11 =	simm.s32 @!p2 $0x0;
	s1 =	sor.u32 @!p2 $0x1C00, s1;
	[sflag:s6] =	ssyncadd.s32 @!p2 $0xFFFFFF80  }
0x156: {  	[tilespmem:s1], [sflag:s7] =	stream.linear.gather @!p2 [hbm4b:s3+s11], $0x4000, $0x38;
	[tilespmem:$0x12DA8] =	vst v63  }
0x157: {  	_ =	swait.ge [sflag:s8], $0x4000  }
0x158: {  	[sflag:s8] =	ssyncset.done $0x0  }
0x159: {  	s3 =	simm.s32 $0x9;
	[sflag:s8] =	ssyncadd.s32 $0xFFFFC000  }
0x15a: {  	_ =	swait.ge [sflag:s3], $0x80  }
0x15b: {  	[sflag:s3] =	ssyncset.done $0x0  }
0x15c: {  	[sflag:s3] =	ssyncadd.s32 $0xFFFFFF80  }
0x15d: {  	_ =	swait.ge [sflag:s14], $0x4000  }
0x15e: {  	[sflag:s14] =	ssyncset.done $0x0  }
0x15f: {  	[sflag:s14] =	ssyncadd.s32 $0xFFFFC000  }
0x160: {  	_ =	swait.ge [sflag:s3], $0x80  }
0x161: {  	[sflag:s3] =	ssyncset.done $0x0  }
0x162: {  	[sflag:s3] =	ssyncadd.s32 $0xFFFFFF80  }
0x163: {  	_ =	swait.ge [sflag:s17], $0x4000  }
0x164: {  	[sflag:s17] =	ssyncset.done $0x0  }
0x165: {  	[sflag:s17] =	ssyncadd.s32 $0xFFFFC000  }
0x166: {  	_ =	swait.ge [sflag:s3], $0x80  }
.Ltmp10:
0x167: {  	[sflag:s3] =	ssyncset.done $0x0;
	(pc) =	sbr.rel .LBB2_16-.Ltmp10, $4  }
0x168: {  	[sflag:s3] =	ssyncadd.s32 $0xFFFFFF80  }
0x169: {  	_ =	swait.ge [sflag:s19], $0x4000  }
0x16a: {  	[sflag:s19] =	ssyncset.done $0x0;
	s7 =	rddreg [dreg:$0xa]  }
0x16b: {  	s6 =	rddreg [dreg:$0xb];
	[sflag:s19] =	ssyncadd.s32 $0xFFFFC000  }
.LBB2_3:
0x16c: {  	s1 =	rddreg [dreg:$0x14];
	s3 =	simm.s32 $0x9C00  }
0x16d: {  	[tilespmem:s3], [sflag:$0x3] =	stream.linear.gather [hbm4b:s1+s5], $0x4000, $0x38;
	[tilespmem:$0x12DA8] =	vst v63  }
0x16e: {  	_ =	swait.ge [sflag:s9], $0x4000  }
0x16f: {  	[sflag:s9] =	ssyncset.done $0x0  }
0x170: {  	s7 =	simm.s32 $0x2;
	[sflag:s9] =	ssyncadd.s32 $0xFFFFC000  }
0x171: {  	[spmem:s2] =	stream.indirect.scatter.add.f32 [tilespmem:s6], [sflag:$0x6], $0x80, s0, s0, $0xb8;
	[tilespmem:$0x12DA8] =	vst v63  }
0x172: {  	s25 =	simm.s32 $0xDC00;
	s7 =	sand.u32 $0x3, s7  }
0x173: {  	[spmem:s4] =	stream.indirect.scatter.add.f32 [tilespmem:s26], [sflag:$0x9], $0x1, s0, s0, $0xb8;
	[tilespmem:$0x12DA8] =	vst v63  }
0x174: {  	s30 =	simm.s32 $0x100;
	s11 =	sadd.s32 $0x1, s7;
	s23 =	rddreg [dreg:$0x18]  }
0x175: {  	[tilespmem:s25], [sflag:$0x4] =	stream.linear.gather [hbm4b:s23+s5], $0x4000, $0x38;
	[tilespmem:$0x12DA8] =	vst v63  }
0x176: {  	p2 =	por $0x0, $0x0;
	s15 =	sshll.u32 s7, $0xE;
	_ =	swait.ge [sflag:s11], $0x4000  }
0x177: {  	s7 =	sadd.s32 $0x5, s7;
	s6 =	simm.s32 $0x4;
	[sflag:s11] =	ssyncset.done $0x0  }
0x178: {  	s15 =	sor.u32 $0x1C00, s15;
	s6 =	sand.u32 @!p2 $0x3, s6;
	[sflag:s11] =	ssyncadd.s32 $0xFFFFC000  }
0x179: {  	[spmem:s2] =	stream.indirect.scatter.add.f32 [tilespmem:s15], [sflag:s7], $0x80, s30, s0, $0xb8;
	[tilespmem:$0x12DA8] =	vst v63  }
0x17a: {  	s3 =	sadd.s32 @!p2 $0x5, s6  }
0x17b: {  	[spmem:s4] =	stream.indirect.scatter.add.f32 [tilespmem:s26], [sflag:$0x9], $0x1, s30, s0, $0xb8;
	[tilespmem:$0x12DA8] =	vst v63  }
0x17c: {  	_ =	swait.ge @!p2 [sflag:s3], $0x4000  }
0x17d: {  	[sflag:s3] =	ssyncset.done @!p2 $0x0  }
0x17e: {  	s20 =	simm.s32 @!p2 $0x9;
	[sflag:s3] =	ssyncadd.s32 @!p2 $0xFFFFC000  }
0x17f: {  	_ =	swait.ge @!p2 [sflag:s20], $0x80  }
0x180: {  	s18 =	sadd.s32 @!p2 $0x1, s6;
	s7 =	sshll.u32 @!p2 s6, $0xE;
	s6 =	sld [smem:$0x7FC]  }
0x181: {  	_ = 	snop  }
0x182: {  	s22 =	simm.s32 $0x5;
	s23 =	simm.s32 $0x180;
	s11 =	simm.s32 $0x3  }
0x183: {  	s15 =	simm.s32 $0x6;
	s7 =	sor.u32 @!p2 $0x1C00, s7;
	s3 =	sadd.s32 $0x800, s6  }
.LBB2_4:
0x184: {  	s30 =	sand.u32 $0x3, s11;
	[sflag:s20] =	ssyncset.done @!p2 $0x0;
	s1 =	simm.s32 @!p2 $0x0  }
0x185: {  	s21 =	sadd.s32 $0x1, s30;
	s25 =	sshll.u32 s30, $0xE;
	[sflag:s20] =	ssyncadd.s32 @!p2 $0xFFFFFF80  }
0x186: {  	[tilespmem:s7], [sflag:s18] =	stream.linear.gather @!p2 [hbm4b:s6+s1], $0x4000, $0x38;
	[tilespmem:$0x12DA8] =	vst v63  }
0x187: {  	s1 =	smov.u32 s15;
	s15 =	sadd.s32 $0x1, s15;
	_ =	swait.ge [sflag:s21], $0x4000  }
0x188: {  	p2 =	sgt.u32 s11, $0x2E;
	p3 =	sne.s32 s15, $0x33;
	[sflag:s21] =	ssyncset.done $0x0  }
0x189: {  	s6 =	sor.u32 $0x1C00, s25;
	s7 =	sadd.s32 $0x5, s30;
	[sflag:s21] =	ssyncadd.s32 $0xFFFFC000  }
0x18a: {  	[spmem:s2] =	stream.indirect.scatter.add.f32 [tilespmem:s6], [sflag:s7], $0x80, s23, s0, $0xb8;
	[tilespmem:$0x12DA8] =	vst v63  }
0x18b: {  	s7 =	sand.u32 @!p2 $0x3, s22  }
0x18c: {  	s22 =	smov.u32 s1;
	s6 =	smov.u32 s3;
	s1 =	sadd.s32 @!p2 $0x5, s7  }
0x18d: {  	[spmem:s4] =	stream.indirect.scatter.add.f32 [tilespmem:s26], [sflag:$0x9], $0x1, s23, s0, $0xb8;
	[tilespmem:$0x12DA8] =	vst v63  }
.Ltmp11:
0x18e: {  	s18 =	sadd.s32 @!p2 $0x1, s7;
	s7 =	sshll.u32 @!p2 s7, $0xE;
	(pc) =	sbr.rel @p3 .LBB2_4-.Ltmp11, $4  }
0x18f: {  	s7 =	sor.u32 @!p2 $0x1C00, s7;
	_ =	swait.ge @!p2 [sflag:s1], $0x4000  }
0x190: {  	[sflag:s1] =	ssyncset.done @!p2 $0x0  }
0x191: {  	s20 =	simm.s32 @!p2 $0x9;
	s23 =	sadd.s32 $0x80, s23;
	[sflag:s1] =	ssyncadd.s32 @!p2 $0xFFFFC000  }
0x192: {  	s3 =	sadd.s32 $0x800, s3;
	s11 =	sadd.s32 $0xFFFFFFFE, s22;
	_ =	swait.ge @!p2 [sflag:s20], $0x80  }
0x193: {  	s1 =	sand.u32 $0x3, s11;
	[sflag:s20] =	ssyncset.done @!p2 $0x0  }
0x194: {  	s15 =	simm.s32 @!p2 $0x0;
	s21 =	sadd.s32 $0x1, s1;
	[sflag:s20] =	ssyncadd.s32 @!p2 $0xFFFFFF80  }
0x195: {  	[tilespmem:s7], [sflag:s18] =	stream.linear.gather @!p2 [hbm4b:s6+s15], $0x4000, $0x38;
	[tilespmem:$0x12DA8] =	vst v63  }
0x196: {  	_ =	swait.ge [sflag:s21], $0x4000  }
0x197: {  	s30 =	sshll.u32 s1, $0xE;
	s1 =	sadd.s32 $0x5, s1;
	[sflag:s21] =	ssyncset.done $0x0  }
0x198: {  	p2 =	sgt.u32 s11, $0x2E;
	s6 =	sor.u32 $0x1C00, s30;
	[sflag:s21] =	ssyncadd.s32 $0xFFFFC000  }
0x199: {  	[spmem:s2] =	stream.indirect.scatter.add.f32 [tilespmem:s6], [sflag:s1], $0x80, s23, s0, $0xb8;
	[tilespmem:$0x12DA8] =	vst v63  }
0x19a: {  	s1 =	sand.u32 @!p2 $0x3, s22  }
0x19b: {  	s6 =	sadd.s32 @!p2 $0x5, s1  }
0x19c: {  	[spmem:s4] =	stream.indirect.scatter.add.f32 [tilespmem:s26], [sflag:$0x9], $0x1, s23, s0, $0xb8;
	[tilespmem:$0x12DA8] =	vst v63  }
0x19d: {  	_ =	swait.ge @!p2 [sflag:s6], $0x4000  }
0x19e: {  	[sflag:s6] =	ssyncset.done @!p2 $0x0  }
0x19f: {  	[sflag:s6] =	ssyncadd.s32 @!p2 $0xFFFFC000;
	s6 =	simm.s32 @!p2 $0x9  }
0x1a0: {  	_ =	swait.ge @!p2 [sflag:s6], $0x80  }
0x1a1: {  	s7 =	sadd.s32 @!p2 $0x1, s1;
	s1 =	sshll.u32 @!p2 s1, $0xE;
	[sflag:s6] =	ssyncset.done @!p2 $0x0  }
0x1a2: {  	s11 =	simm.s32 @!p2 $0x0;
	s1 =	sor.u32 @!p2 $0x1C00, s1;
	[sflag:s6] =	ssyncadd.s32 @!p2 $0xFFFFFF80  }
0x1a3: {  	[tilespmem:s1], [sflag:s7] =	stream.linear.gather @!p2 [hbm4b:s3+s11], $0x4000, $0x38;
	[tilespmem:$0x12DA8] =	vst v63  }
0x1a4: {  	_ =	swait.ge [sflag:s8], $0x4000  }
0x1a5: {  	[sflag:s8] =	ssyncset.done $0x0  }
0x1a6: {  	s3 =	simm.s32 $0x9;
	[sflag:s8] =	ssyncadd.s32 $0xFFFFC000  }
0x1a7: {  	_ =	swait.ge [sflag:s3], $0x80  }
0x1a8: {  	[sflag:s3] =	ssyncset.done $0x0  }
0x1a9: {  	[sflag:s3] =	ssyncadd.s32 $0xFFFFFF80  }
0x1aa: {  	_ =	swait.ge [sflag:s14], $0x4000  }
0x1ab: {  	[sflag:s14] =	ssyncset.done $0x0  }
0x1ac: {  	[sflag:s14] =	ssyncadd.s32 $0xFFFFC000  }
0x1ad: {  	_ =	swait.ge [sflag:s3], $0x80  }
0x1ae: {  	[sflag:s3] =	ssyncset.done $0x0  }
0x1af: {  	[sflag:s3] =	ssyncadd.s32 $0xFFFFFF80  }
0x1b0: {  	_ =	swait.ge [sflag:s17], $0x4000  }
0x1b1: {  	[sflag:s17] =	ssyncset.done $0x0  }
0x1b2: {  	[sflag:s17] =	ssyncadd.s32 $0xFFFFC000  }
0x1b3: {  	_ =	swait.ge [sflag:s3], $0x80  }
0x1b4: {  	[sflag:s3] =	ssyncset.done $0x0  }
.Ltmp12:
0x1b5: {  	[sflag:s3] =	ssyncadd.s32 $0xFFFFFF80;
	(pc) =	sbr.rel .LBB2_16-.Ltmp12, $4  }
0x1b6: {  	_ =	swait.ge [sflag:s19], $0x4000  }
0x1b7: {  	[sflag:s19] =	ssyncset.done $0x0  }
0x1b8: {  	s6 =	rddreg [dreg:$0x9];
	[sflag:s19] =	ssyncadd.s32 $0xFFFFC000  }
0x1b9: {  	s7 =	rddreg [dreg:$0x3]  }
.LBB2_17:
0x1ba: {  	_ =	sfence.sel $0x180000  }
0x1bb: {  	[bflag:$0x0] =	sbarrier.arrive $0xFFFF  }
0x1bc: {  	_ =	strace $0x90000047  }
0x1bd: {  	s0 =	stileid.u32;
	[bflag:$0x2] =	sbarrier.arrive $0xFFFF  }
0x1be: {  	p0 =	sne.s32 s0, $0x0;
	s0 =	rddreg [dreg:$0x6]  }
0x1bf: {  	s0 =	sadd.s32 @!p0 $0x100000, s0  }
0x1c0: {  	[sflag:s0] =	ssyncadd.tile.s32 @!p0 $0x1;
	_ =	shalt  }
.Lfunc_end2:
_tile_overlayer_lowered:
.L_overlay_start_2:
0x1c1: {  	(tag) =	ssettag $0x2  }
0x1c2: {  	s0 =	rddreg [dreg:$0x0];
	s2 =	stileid.u32  }
0x1c3: {  	s1 =	rddreg [dreg:$0x1];
	p0 =	sne.s32 s2, $0x0  }
0x1c4: {  	s3 =	rddreg [dreg:$0x2];
	[bflag:$0x3] =	sbarrier.arrive $0xFFFF;
	s2 =	simm.s32 @!p0 $0x1C0A  }
0x1c5: {  	[timem:s3], [sflag:s2] =	dma.local @!p0 [hbm:s0], s1  }
0x1c6: {  	s0 =	simm.s32 @!p0 $0xA  }
0x1c7: {  	_ =	swait.ge @!p0 [sflag:s0], s1  }
0x1c8: {  	s1 =	ssub.s32 @!p0 $0x0, s1;
	[sflag:s0] =	ssyncset.done @!p0 $0x0  }
0x1c9: {  	[sflag:s0] =	ssyncadd.s32 @!p0 s1  }
0x1ca: {  	[bflag:$0x3] =	sbarrier.arrive $0xFFFF  }
0x1cb: {  	_ =	shalt  }

</sc_bundles>
